<compile_context>
chip_gen: v7x
topology: tpu7x:2x2x1
jax: 0.10.2.dev20260603
libtpu: 0.0.44.dev20260713+nightly
codegen_flags: <defaults>
</compile_context>

<pallas_src>
import jax
import jax.numpy as jnp
from jax import lax
from jax.experimental import pallas as pl
from jax.experimental.pallas import tpu as pltpu
from jax.experimental.pallas import tpu_sc as plsc

N_BINS = 15
N = 262144
C = 100
L = 4096
NB = N // L
HIST = 16 * C
NW = 32
CHUNK = N // NW
LANES = 16


def _tc_main(x_ref, lab_ref, conf_ref, flat_ref, labmax_ref):
    i = pl.program_id(0)
    x = x_ref[...]
    lab = lab_ref[0]

    m = jnp.max(x, axis=0, keepdims=True)
    e = jnp.exp(x - m)
    s = jnp.sum(e, axis=0, keepdims=True)
    sm = e * (1.0 / s)

    bi = jnp.ceil(sm * float(N_BINS))

    cols = [
        jnp.sum(jnp.where(bi == float(b + 1), sm, 0.0), axis=1, keepdims=True)
        for b in range(1, N_BINS)
    ]
    total_col = jnp.sum(sm, axis=1, keepdims=True)
    c0 = total_col - sum(cols[1:], cols[0])
    part = jnp.concatenate([c0] + cols, axis=1)

    onehot = lax.broadcasted_iota(jnp.int32, (C, L), 0) == lab
    conf_lab = jnp.sum(jnp.where(onehot, sm, 0.0), axis=0, keepdims=True)
    bl = jnp.clip(jnp.ceil(conf_lab * float(N_BINS)) - 1.0, 0.0,
                  float(N_BINS - 1)).astype(jnp.int32)
    flat_ref[0] = bl + lab * 16

    lm = jnp.max(lab, axis=1, keepdims=True)

    @pl.when(i == 0)
    def _():
        conf_ref[...] = part
        labmax_ref[...] = lm

    @pl.when(i > 0)
    def _():
        conf_ref[...] += part
        labmax_ref[...] = jnp.maximum(labmax_ref[...], lm)


def _sc_hist(ids_hbm, out_hbm, ids_v, hist_v, red_v):
    info = plsc.get_sparse_core_info()
    wid = lax.axis_index("s") * info.num_cores + lax.axis_index("c")
    pltpu.sync_copy(ids_hbm.at[pl.ds(wid * CHUNK, CHUNK)], ids_v)

    zeros16 = jnp.zeros((LANES,), jnp.float32)
    ones16 = jnp.ones((LANES,), jnp.float32)
    lane_off = lax.iota(jnp.int32, LANES) * HIST

    def zero_body(j, _):
        base = j * (8 * LANES)
        for u in range(8):
            hist_v[pl.ds(base + u * LANES, LANES)] = zeros16
        return 0

    lax.fori_loop(0, (LANES * HIST) // (8 * LANES), zero_body, 0)

    def scat_body(k, _):
        base = k * (4 * LANES)
        for u in range(4):
            ids16 = ids_v[pl.ds(base + u * LANES, LANES)]
            plsc.addupdate_scatter(hist_v, [ids16 + lane_off], ones16)
        return 0

    lax.fori_loop(0, CHUNK // (4 * LANES), scat_body, 0)

    def red_body(c, _):
        acc16 = hist_v[pl.ds(c * 16, LANES)]
        for l in range(1, LANES):
            acc16 = acc16 + hist_v[pl.ds(l * HIST + c * 16, LANES)]
        red_v[c, :] = acc16
        return 0

    lax.fori_loop(0, C, red_body, 0)

    pltpu.sync_copy(red_v, out_hbm.at[wid])


def _tc_combine(conf_ref, acc_ref, labmax_ref, out_ref):
    acc = jnp.sum(acc_ref[...], axis=0)
    diff = jnp.abs(conf_ref[...] - acc[:, :N_BINS])
    nc = labmax_ref[0, 0] + 1
    valid = lax.broadcasted_iota(jnp.int32, (C, N_BINS), 0) < nc
    total = jnp.sum(jnp.where(valid, diff, 0.0), axis=(0, 1), keepdims=True)
    out_ref[...] = total / (nc.astype(jnp.float32) * float(N))


def kernel(logits, labels):
    logits_t = logits.T
    labels3 = labels.reshape(NB, 1, L)

    conf, flat, labmax = pl.pallas_call(
        _tc_main,
        grid=(NB,),
        in_specs=[
            pl.BlockSpec((C, L), lambda i: (0, i)),
            pl.BlockSpec((1, 1, L), lambda i: (i, 0, 0)),
        ],
        out_specs=[
            pl.BlockSpec((C, N_BINS), lambda i: (0, 0)),
            pl.BlockSpec((1, 1, L), lambda i: (i, 0, 0)),
            pl.BlockSpec((1, 1), lambda i: (0, 0)),
        ],
        out_shape=[
            jax.ShapeDtypeStruct((C, N_BINS), jnp.float32),
            jax.ShapeDtypeStruct((NB, 1, L), jnp.int32),
            jax.ShapeDtypeStruct((1, 1), jnp.int32),
        ],
        compiler_params=pltpu.CompilerParams(
            dimension_semantics=("arbitrary",)),
    )(logits_t, labels3)

    ids = flat.reshape(N)

    sc_call = pl.kernel(
        _sc_hist,
        out_type=jax.ShapeDtypeStruct((NW, C, 16), jnp.float32),
        mesh=plsc.VectorSubcoreMesh(core_axis_name="c", subcore_axis_name="s"),
        scratch_types=[
            pltpu.VMEM((CHUNK,), jnp.int32),
            pltpu.VMEM((LANES * HIST,), jnp.float32),
            pltpu.VMEM((C, 16), jnp.float32),
        ],
        compiler_params=pltpu.CompilerParams(needs_layout_passes=False),
    )
    acc3 = sc_call(ids)

    ece = pl.pallas_call(
        _tc_combine,
        in_specs=[
            pl.BlockSpec((C, N_BINS), lambda: (0, 0)),
            pl.BlockSpec((NW, C, 16), lambda: (0, 0, 0)),
            pl.BlockSpec(memory_space=pltpu.SMEM),
        ],
        out_specs=pl.BlockSpec((1, 1), lambda: (0, 0)),
        out_shape=jax.ShapeDtypeStruct((1, 1), jnp.float32),
    )(conf, acc3, labmax)

    return ece[0, 0]

# --- scband reference (transcript-rebuilt; emitter-appended) ---
"""Pipeline reference for scband-classwise-ece-11424613007597 (READ-ONLY COPY).

The authoritative reference and input builder live on the scoring server;
editing this copy changes nothing except your own understanding.
"""

import jax, jax.numpy as jnp
import numpy as np

N_BINS = 15


def setup_inputs(seed: int = 0) -> dict:
    key = jax.random.key(seed)
    k1, k2 = jax.random.split(key)
    logits = jax.random.normal(k1, (262144, 100), dtype=jnp.float32)
    labels = jax.random.randint(k2, (262144,), 0, 100, dtype=jnp.int32)
    return {"logits": logits, "labels": labels}


def _classwise_ece(softmaxes, labels, num_classes):
    # Faithful vectorization of the per-class, per-bin torch loop.
    # Bin semantics: conf in (bin_lower, bin_upper] with boundaries linspace(0,1,n_bins+1).
    # Since softmax outputs are > 0, bin index = ceil(conf * n_bins) - 1 (clipped).
    N, C = softmaxes.shape
    sm = softmaxes
    bin_idx = jnp.clip(jnp.ceil(sm * N_BINS).astype(jnp.int32) - 1, 0, N_BINS - 1)
    bin_idx = jax.lax.stop_gradient(bin_idx)
    flat_idx = (jnp.arange(C, dtype=jnp.int32)[None, :] * N_BINS + bin_idx).reshape(-1)
    n_seg = C * N_BINS
    counts = jax.ops.segment_sum(jnp.ones((N * C,), dtype=jnp.float32), flat_idx, num_segments=n_seg)
    sum_conf = jax.ops.segment_sum(sm.reshape(-1), flat_idx, num_segments=n_seg)
    onehot = (labels[:, None] == jnp.arange(C, dtype=labels.dtype)[None, :]).astype(jnp.float32)
    sum_acc = jax.ops.segment_sum(onehot.reshape(-1), flat_idx, num_segments=n_seg)
    counts = counts.reshape(C, N_BINS)
    sum_conf = sum_conf.reshape(C, N_BINS)
    sum_acc = sum_acc.reshape(C, N_BINS)
    nonzero = counts > 0
    safe = jnp.maximum(counts, 1.0)
    avg_conf = sum_conf / safe
    acc = sum_acc / safe
    prop = counts / float(N)
    contrib = jnp.where(nonzero, jnp.abs(avg_conf - acc) * prop, 0.0)
    valid = (jnp.arange(C, dtype=jnp.int32) < num_classes)[:, None]
    contrib = jnp.where(valid, contrib, 0.0)
    per_class_sce = jnp.sum(contrib, axis=1)
    return jnp.sum(per_class_sce) / num_classes.astype(jnp.float32)


def reference(logits, labels):
    softmaxes = jax.nn.softmax(logits, axis=1)
    num_classes = jnp.max(labels) + 1
    return _classwise_ece(softmaxes, labels, num_classes)

if __name__ == "__main__":
    import jax
    _d = setup_inputs()
    print(jax.jit(kernel)(*tuple(_d.values())))

</pallas_src>

<mosaic_0001>
#map = affine_map<(d0, d1) -> (0)>
#map1 = affine_map<(d0, d1) -> (0, 0, 0)>
module attributes {stable_mosaic.version = 14 : i64} {
  func.func @_sc_hist(%arg0: i32, %arg1: i32, %arg2: memref<262144xi32, #tpu.memory_space<hbm>>, %arg3: memref<32x100x16xf32, #tpu.memory_space<hbm>>, %arg4: memref<8192xi32, #tpu.memory_space<vmem>>, %arg5: memref<25600xf32, #tpu.memory_space<vmem>>, %arg6: memref<100x16xf32, #tpu.memory_space<vmem>>) attributes {dimension_semantics = [#tpu.dimension_semantics<core_parallel>, #tpu.dimension_semantics<subcore_parallel>], iteration_bounds = array<i64: 2, 16>, scalar_prefetch = 0 : i64, scratch_operands = 3 : i64, tpu.core_type = #tpu.core_type<sc_vector_subcore>, window_params = [{transform_indices = #map}, {transform_indices = #map1}]} {
    %mul3A = arith.constant 2 : i32
    %mul3A_0 = arith.muli %arg1, %mul3A : i32
    %add3A = arith.addi %mul3A_0, %arg0 : i32
    %mul3A_1 = arith.constant 8192 : i32
    %mul3A_2 = arith.muli %add3A, %mul3A_1 : i32
    "tpu.region"() ({
      %run_scoped3A = tpu.sem_alloc : memref<!tpu.dma_semaphore, #tpu.memory_space<semaphore_mem>>
      %dma_start3A = tpu.memref_slice %arg2[%mul3A_2] : memref<262144xi32, #tpu.memory_space<hbm>> -> memref<8192xi32, #tpu.memory_space<hbm>>
      %dma_start3A_29 = tpu.memref_slice %arg2[%mul3A_2] : memref<262144xi32, #tpu.memory_space<hbm>> -> memref<8192xi32, #tpu.memory_space<hbm>>
      tpu.enqueue_dma source(%dma_start3A_29 : memref<8192xi32, #tpu.memory_space<hbm>>) target(%arg4 : memref<8192xi32, #tpu.memory_space<vmem>>) target_semaphore(%run_scoped3A : memref<!tpu.dma_semaphore, #tpu.memory_space<semaphore_mem>>)
      %dma_wait3A = tpu.memref_slice %arg2[%mul3A_2] : memref<262144xi32, #tpu.memory_space<hbm>> -> memref<8192xi32, #tpu.memory_space<hbm>>
      %dma_wait3A_30 = tpu.memref_slice %arg2[%mul3A_2] : memref<262144xi32, #tpu.memory_space<hbm>> -> memref<8192xi32, #tpu.memory_space<hbm>>
      tpu.wait_dma2 semaphore(%run_scoped3A : memref<!tpu.dma_semaphore, #tpu.memory_space<semaphore_mem>>) src(%dma_wait3A_30 : memref<8192xi32, #tpu.memory_space<hbm>>) dst(%arg4 : memref<8192xi32, #tpu.memory_space<vmem>>)
      tpu.yield
    }) : () -> ()
    %broadcast_in_dim3A = arith.constant 0.000000e+00 : f32
    %broadcast_in_dim3A_3 = vector.broadcast %broadcast_in_dim3A : f32 to vector<16xf32>
    %broadcast_in_dim3A_4 = arith.constant 1.000000e+00 : f32
    %broadcast_in_dim3A_5 = vector.broadcast %broadcast_in_dim3A_4 : f32 to vector<16xf32>
    %iota3A = tpu.iota {dimensions = array<i32: 0>} : vector<16xi32>
    %mul3A_6 = arith.constant 1600 : i32
    %mul3A_7 = vector.broadcast %mul3A_6 : i32 to vector<16xi32>
    %mul3A_8 = arith.muli %iota3A, %mul3A_7 : vector<16xi32>
    %scan3A = arith.constant 0 : i32
    %scan3A_9 = arith.constant 0 : i32
    %scan3A_10 = arith.constant 200 : i32
    %scan3A_11 = arith.addi %scan3A_9, %scan3A_10 : i32
    %scan3A_12 = arith.constant 1 : i32
    %scan3A_13 = scf.for %scan3A_29 = %scan3A_9 to %scan3A_11 step %scan3A_12 iter_args(%scan3A_30 = %scan3A) -> (i32)  : i32 {
      %mul3A_31 = arith.constant 128 : i32
      %mul3A_32 = arith.muli %scan3A_29, %mul3A_31 : i32
      %add3A_33 = arith.constant 0 : i32
      %add3A_34 = arith.addi %mul3A_32, %add3A_33 : i32
      %swap3A = arith.index_cast %add3A_34 : i32 to index
      %swap3A_35 = tpu.vector_load %arg5[%swap3A] {strides = array<i32>} : memref<25600xf32, #tpu.memory_space<vmem>>, vector<16xf32>,
      tpu.vector_store %arg5[%swap3A], %broadcast_in_dim3A_3 {strides = array<i32>} : memref<25600xf32, #tpu.memory_space<vmem>>, vector<16xf32>,
      %add3A_36 = arith.constant 16 : i32
      %add3A_37 = arith.addi %mul3A_32, %add3A_36 : i32
      %swap3A_38 = arith.index_cast %add3A_37 : i32 to index
      %swap3A_39 = tpu.vector_load %arg5[%swap3A_38] {strides = array<i32>} : memref<25600xf32, #tpu.memory_space<vmem>>, vector<16xf32>,
      tpu.vector_store %arg5[%swap3A_38], %broadcast_in_dim3A_3 {strides = array<i32>} : memref<25600xf32, #tpu.memory_space<vmem>>, vector<16xf32>,
      %add3A_40 = arith.constant 32 : i32
      %add3A_41 = arith.addi %mul3A_32, %add3A_40 : i32
      %swap3A_42 = arith.index_cast %add3A_41 : i32 to index
      %swap3A_43 = tpu.vector_load %arg5[%swap3A_42] {strides = array<i32>} : memref<25600xf32, #tpu.memory_space<vmem>>, vector<16xf32>,
      tpu.vector_store %arg5[%swap3A_42], %broadcast_in_dim3A_3 {strides = array<i32>} : memref<25600xf32, #tpu.memory_space<vmem>>, vector<16xf32>,
      %add3A_44 = arith.constant 48 : i32
      %add3A_45 = arith.addi %mul3A_32, %add3A_44 : i32
      %swap3A_46 = arith.index_cast %add3A_45 : i32 to index
      %swap3A_47 = tpu.vector_load %arg5[%swap3A_46] {strides = array<i32>} : memref<25600xf32, #tpu.memory_space<vmem>>, vector<16xf32>,
      tpu.vector_store %arg5[%swap3A_46], %broadcast_in_dim3A_3 {strides = array<i32>} : memref<25600xf32, #tpu.memory_space<vmem>>, vector<16xf32>,
      %add3A_48 = arith.constant 64 : i32
      %add3A_49 = arith.addi %mul3A_32, %add3A_48 : i32
      %swap3A_50 = arith.index_cast %add3A_49 : i32 to index
      %swap3A_51 = tpu.vector_load %arg5[%swap3A_50] {strides = array<i32>} : memref<25600xf32, #tpu.memory_space<vmem>>, vector<16xf32>,
      tpu.vector_store %arg5[%swap3A_50], %broadcast_in_dim3A_3 {strides = array<i32>} : memref<25600xf32, #tpu.memory_space<vmem>>, vector<16xf32>,
      %add3A_52 = arith.constant 80 : i32
      %add3A_53 = arith.addi %mul3A_32, %add3A_52 : i32
      %swap3A_54 = arith.index_cast %add3A_53 : i32 to index
      %swap3A_55 = tpu.vector_load %arg5[%swap3A_54] {strides = array<i32>} : memref<25600xf32, #tpu.memory_space<vmem>>, vector<16xf32>,
      tpu.vector_store %arg5[%swap3A_54], %broadcast_in_dim3A_3 {strides = array<i32>} : memref<25600xf32, #tpu.memory_space<vmem>>, vector<16xf32>,
      %add3A_56 = arith.constant 96 : i32
      %add3A_57 = arith.addi %mul3A_32, %add3A_56 : i32
      %swap3A_58 = arith.index_cast %add3A_57 : i32 to index
      %swap3A_59 = tpu.vector_load %arg5[%swap3A_58] {strides = array<i32>} : memref<25600xf32, #tpu.memory_space<vmem>>, vector<16xf32>,
      tpu.vector_store %arg5[%swap3A_58], %broadcast_in_dim3A_3 {strides = array<i32>} : memref<25600xf32, #tpu.memory_space<vmem>>, vector<16xf32>,
      %add3A_60 = arith.constant 112 : i32
      %add3A_61 = arith.addi %mul3A_32, %add3A_60 : i32
      %swap3A_62 = arith.index_cast %add3A_61 : i32 to index
      %swap3A_63 = tpu.vector_load %arg5[%swap3A_62] {strides = array<i32>} : memref<25600xf32, #tpu.memory_space<vmem>>, vector<16xf32>,
      tpu.vector_store %arg5[%swap3A_62], %broadcast_in_dim3A_3 {strides = array<i32>} : memref<25600xf32, #tpu.memory_space<vmem>>, vector<16xf32>,
      %scan3A_64 = arith.constant 0 : i32
      scf.yield %scan3A_64 : i32
    }
    %scan3A_14 = arith.constant 200 : i32
    %scan3A_15 = arith.constant 0 : i32
    %scan3A_16 = arith.constant 0 : i32
    %scan3A_17 = arith.constant 128 : i32
    %scan3A_18 = arith.addi %scan3A_16, %scan3A_17 : i32
    %scan3A_19 = arith.constant 1 : i32
    %scan3A_20 = scf.for %scan3A_29 = %scan3A_16 to %scan3A_18 step %scan3A_19 iter_args(%scan3A_30 = %scan3A_15) -> (i32)  : i32 {
      %mul3A_31 = arith.constant 64 : i32
      %mul3A_32 = arith.muli %scan3A_29, %mul3A_31 : i32
      %add3A_33 = arith.constant 0 : i32
      %add3A_34 = arith.addi %mul3A_32, %add3A_33 : i32
      %get3A = arith.index_cast %add3A_34 : i32 to index
      %get3A_35 = tpu.vector_load %arg4[%get3A] {strides = array<i32>} : memref<8192xi32, #tpu.memory_space<vmem>>, vector<16xi32>,
      %add3A_36 = arith.addi %get3A_35, %mul3A_8 : vector<16xi32>
      tpu.vector_store_idx %arg5[%add3A_36], %broadcast_in_dim3A_5 {add = true} : memref<25600xf32, #tpu.memory_space<vmem>>[vector<16xi32>], vector<16xf32>,
      %add3A_37 = arith.constant 16 : i32
      %add3A_38 = arith.addi %mul3A_32, %add3A_37 : i32
      %get3A_39 = arith.index_cast %add3A_38 : i32 to index
      %get3A_40 = tpu.vector_load %arg4[%get3A_39] {strides = array<i32>} : memref<8192xi32, #tpu.memory_space<vmem>>, vector<16xi32>,
      %add3A_41 = arith.addi %get3A_40, %mul3A_8 : vector<16xi32>
      tpu.vector_store_idx %arg5[%add3A_41], %broadcast_in_dim3A_5 {add = true} : memref<25600xf32, #tpu.memory_space<vmem>>[vector<16xi32>], vector<16xf32>,
      %add3A_42 = arith.constant 32 : i32
      %add3A_43 = arith.addi %mul3A_32, %add3A_42 : i32
      %get3A_44 = arith.index_cast %add3A_43 : i32 to index
      %get3A_45 = tpu.vector_load %arg4[%get3A_44] {strides = array<i32>} : memref<8192xi32, #tpu.memory_space<vmem>>, vector<16xi32>,
      %add3A_46 = arith.addi %get3A_45, %mul3A_8 : vector<16xi32>
      tpu.vector_store_idx %arg5[%add3A_46], %broadcast_in_dim3A_5 {add = true} : memref<25600xf32, #tpu.memory_space<vmem>>[vector<16xi32>], vector<16xf32>,
      %add3A_47 = arith.constant 48 : i32
      %add3A_48 = arith.addi %mul3A_32, %add3A_47 : i32
      %get3A_49 = arith.index_cast %add3A_48 : i32 to index
      %get3A_50 = tpu.vector_load %arg4[%get3A_49] {strides = array<i32>} : memref<8192xi32, #tpu.memory_space<vmem>>, vector<16xi32>,
      %add3A_51 = arith.addi %get3A_50, %mul3A_8 : vector<16xi32>
      tpu.vector_store_idx %arg5[%add3A_51], %broadcast_in_dim3A_5 {add = true} : memref<25600xf32, #tpu.memory_space<vmem>>[vector<16xi32>], vector<16xf32>,
      %scan3A_52 = arith.constant 0 : i32
      scf.yield %scan3A_52 : i32
    }
    %scan3A_21 = arith.constant 128 : i32
    %scan3A_22 = arith.constant 0 : i32
    %scan3A_23 = arith.constant 0 : i32
    %scan3A_24 = arith.constant 100 : i32
    %scan3A_25 = arith.addi %scan3A_23, %scan3A_24 : i32
    %scan3A_26 = arith.constant 1 : i32
    %scan3A_27 = scf.for %scan3A_29 = %scan3A_23 to %scan3A_25 step %scan3A_26 iter_args(%scan3A_30 = %scan3A_22) -> (i32)  : i32 {
      %mul3A_31 = arith.constant 16 : i32
      %mul3A_32 = arith.muli %scan3A_29, %mul3A_31 : i32
      %get3A = arith.index_cast %mul3A_32 : i32 to index
      %get3A_33 = tpu.vector_load %arg5[%get3A] {strides = array<i32>} : memref<25600xf32, #tpu.memory_space<vmem>>, vector<16xf32>,
      %mul3A_34 = arith.constant 16 : i32
      %mul3A_35 = arith.muli %scan3A_29, %mul3A_34 : i32
      %add3A_36 = arith.constant 1600 : i32
      %add3A_37 = arith.addi %add3A_36, %mul3A_35 : i32
      %get3A_38 = arith.index_cast %add3A_37 : i32 to index
      %get3A_39 = tpu.vector_load %arg5[%get3A_38] {strides = array<i32>} : memref<25600xf32, #tpu.memory_space<vmem>>, vector<16xf32>,
      %add3A_40 = arith.addf %get3A_33, %get3A_39 : vector<16xf32>
      %mul3A_41 = arith.constant 16 : i32
      %mul3A_42 = arith.muli %scan3A_29, %mul3A_41 : i32
      %add3A_43 = arith.constant 3200 : i32
      %add3A_44 = arith.addi %add3A_43, %mul3A_42 : i32
      %get3A_45 = arith.index_cast %add3A_44 : i32 to index
      %get3A_46 = tpu.vector_load %arg5[%get3A_45] {strides = array<i32>} : memref<25600xf32, #tpu.memory_space<vmem>>, vector<16xf32>,
      %add3A_47 = arith.addf %add3A_40, %get3A_46 : vector<16xf32>
      %mul3A_48 = arith.constant 16 : i32
      %mul3A_49 = arith.muli %scan3A_29, %mul3A_48 : i32
      %add3A_50 = arith.constant 4800 : i32
      %add3A_51 = arith.addi %add3A_50, %mul3A_49 : i32
      %get3A_52 = arith.index_cast %add3A_51 : i32 to index
      %get3A_53 = tpu.vector_load %arg5[%get3A_52] {strides = array<i32>} : memref<25600xf32, #tpu.memory_space<vmem>>, vector<16xf32>,
      %add3A_54 = arith.addf %add3A_47, %get3A_53 : vector<16xf32>
      %mul3A_55 = arith.constant 16 : i32
      %mul3A_56 = arith.muli %scan3A_29, %mul3A_55 : i32
      %add3A_57 = arith.constant 6400 : i32
      %add3A_58 = arith.addi %add3A_57, %mul3A_56 : i32
      %get3A_59 = arith.index_cast %add3A_58 : i32 to index
      %get3A_60 = tpu.vector_load %arg5[%get3A_59] {strides = array<i32>} : memref<25600xf32, #tpu.memory_space<vmem>>, vector<16xf32>,
      %add3A_61 = arith.addf %add3A_54, %get3A_60 : vector<16xf32>
      %mul3A_62 = arith.constant 16 : i32
      %mul3A_63 = arith.muli %scan3A_29, %mul3A_62 : i32
      %add3A_64 = arith.constant 8000 : i32
      %add3A_65 = arith.addi %add3A_64, %mul3A_63 : i32
      %get3A_66 = arith.index_cast %add3A_65 : i32 to index
      %get3A_67 = tpu.vector_load %arg5[%get3A_66] {strides = array<i32>} : memref<25600xf32, #tpu.memory_space<vmem>>, vector<16xf32>,
      %add3A_68 = arith.addf %add3A_61, %get3A_67 : vector<16xf32>
      %mul3A_69 = arith.constant 16 : i32
      %mul3A_70 = arith.muli %scan3A_29, %mul3A_69 : i32
      %add3A_71 = arith.constant 9600 : i32
      %add3A_72 = arith.addi %add3A_71, %mul3A_70 : i32
      %get3A_73 = arith.index_cast %add3A_72 : i32 to index
      %get3A_74 = tpu.vector_load %arg5[%get3A_73] {strides = array<i32>} : memref<25600xf32, #tpu.memory_space<vmem>>, vector<16xf32>,
      %add3A_75 = arith.addf %add3A_68, %get3A_74 : vector<16xf32>
      %mul3A_76 = arith.constant 16 : i32
      %mul3A_77 = arith.muli %scan3A_29, %mul3A_76 : i32
      %add3A_78 = arith.constant 11200 : i32
      %add3A_79 = arith.addi %add3A_78, %mul3A_77 : i32
      %get3A_80 = arith.index_cast %add3A_79 : i32 to index
      %get3A_81 = tpu.vector_load %arg5[%get3A_80] {strides = array<i32>} : memref<25600xf32, #tpu.memory_space<vmem>>, vector<16xf32>,
      %add3A_82 = arith.addf %add3A_75, %get3A_81 : vector<16xf32>
      %mul3A_83 = arith.constant 16 : i32
      %mul3A_84 = arith.muli %scan3A_29, %mul3A_83 : i32
      %add3A_85 = arith.constant 12800 : i32
      %add3A_86 = arith.addi %add3A_85, %mul3A_84 : i32
      %get3A_87 = arith.index_cast %add3A_86 : i32 to index
      %get3A_88 = tpu.vector_load %arg5[%get3A_87] {strides = array<i32>} : memref<25600xf32, #tpu.memory_space<vmem>>, vector<16xf32>,
      %add3A_89 = arith.addf %add3A_82, %get3A_88 : vector<16xf32>
      %mul3A_90 = arith.constant 16 : i32
      %mul3A_91 = arith.muli %scan3A_29, %mul3A_90 : i32
      %add3A_92 = arith.constant 14400 : i32
      %add3A_93 = arith.addi %add3A_92, %mul3A_91 : i32
      %get3A_94 = arith.index_cast %add3A_93 : i32 to index
      %get3A_95 = tpu.vector_load %arg5[%get3A_94] {strides = array<i32>} : memref<25600xf32, #tpu.memory_space<vmem>>, vector<16xf32>,
      %add3A_96 = arith.addf %add3A_89, %get3A_95 : vector<16xf32>
      %mul3A_97 = arith.constant 16 : i32
      %mul3A_98 = arith.muli %scan3A_29, %mul3A_97 : i32
      %add3A_99 = arith.constant 16000 : i32
      %add3A_100 = arith.addi %add3A_99, %mul3A_98 : i32
      %get3A_101 = arith.index_cast %add3A_100 : i32 to index
      %get3A_102 = tpu.vector_load %arg5[%get3A_101] {strides = array<i32>} : memref<25600xf32, #tpu.memory_space<vmem>>, vector<16xf32>,
      %add3A_103 = arith.addf %add3A_96, %get3A_102 : vector<16xf32>
      %mul3A_104 = arith.constant 16 : i32
      %mul3A_105 = arith.muli %scan3A_29, %mul3A_104 : i32
      %add3A_106 = arith.constant 17600 : i32
      %add3A_107 = arith.addi %add3A_106, %mul3A_105 : i32
      %get3A_108 = arith.index_cast %add3A_107 : i32 to index
      %get3A_109 = tpu.vector_load %arg5[%get3A_108] {strides = array<i32>} : memref<25600xf32, #tpu.memory_space<vmem>>, vector<16xf32>,
      %add3A_110 = arith.addf %add3A_103, %get3A_109 : vector<16xf32>
      %mul3A_111 = arith.constant 16 : i32
      %mul3A_112 = arith.muli %scan3A_29, %mul3A_111 : i32
      %add3A_113 = arith.constant 19200 : i32
      %add3A_114 = arith.addi %add3A_113, %mul3A_112 : i32
      %get3A_115 = arith.index_cast %add3A_114 : i32 to index
      %get3A_116 = tpu.vector_load %arg5[%get3A_115] {strides = array<i32>} : memref<25600xf32, #tpu.memory_space<vmem>>, vector<16xf32>,
      %add3A_117 = arith.addf %add3A_110, %get3A_116 : vector<16xf32>
      %mul3A_118 = arith.constant 16 : i32
      %mul3A_119 = arith.muli %scan3A_29, %mul3A_118 : i32
      %add3A_120 = arith.constant 20800 : i32
      %add3A_121 = arith.addi %add3A_120, %mul3A_119 : i32
      %get3A_122 = arith.index_cast %add3A_121 : i32 to index
      %get3A_123 = tpu.vector_load %arg5[%get3A_122] {strides = array<i32>} : memref<25600xf32, #tpu.memory_space<vmem>>, vector<16xf32>,
      %add3A_124 = arith.addf %add3A_117, %get3A_123 : vector<16xf32>
      %mul3A_125 = arith.constant 16 : i32
      %mul3A_126 = arith.muli %scan3A_29, %mul3A_125 : i32
      %add3A_127 = arith.constant 22400 : i32
      %add3A_128 = arith.addi %add3A_127, %mul3A_126 : i32
      %get3A_129 = arith.index_cast %add3A_128 : i32 to index
      %get3A_130 = tpu.vector_load %arg5[%get3A_129] {strides = array<i32>} : memref<25600xf32, #tpu.memory_space<vmem>>, vector<16xf32>,
      %add3A_131 = arith.addf %add3A_124, %get3A_130 : vector<16xf32>
      %mul3A_132 = arith.constant 16 : i32
      %mul3A_133 = arith.muli %scan3A_29, %mul3A_132 : i32
      %add3A_134 = arith.constant 24000 : i32
      %add3A_135 = arith.addi %add3A_134, %mul3A_133 : i32
      %get3A_136 = arith.index_cast %add3A_135 : i32 to index
      %get3A_137 = tpu.vector_load %arg5[%get3A_136] {strides = array<i32>} : memref<25600xf32, #tpu.memory_space<vmem>>, vector<16xf32>,
      %add3A_138 = arith.addf %add3A_131, %get3A_137 : vector<16xf32>
      %swap3A = arith.index_cast %scan3A_29 : i32 to index
      %swap3A_139 = arith.constant 0 : index
      %swap3A_140 = tpu.vector_load %arg6[%swap3A, %swap3A_139] {strides = array<i32>} : memref<100x16xf32, #tpu.memory_space<vmem>>, vector<16xf32>,
      tpu.vector_store %arg6[%swap3A, %swap3A_139], %add3A_138 {strides = array<i32>} : memref<100x16xf32, #tpu.memory_space<vmem>>, vector<16xf32>,
      %scan3A_141 = arith.constant 0 : i32
      scf.yield %scan3A_141 : i32
    }
    %scan3A_28 = arith.constant 100 : i32
    "tpu.region"() ({
      %run_scoped3A = tpu.sem_alloc : memref<!tpu.dma_semaphore, #tpu.memory_space<semaphore_mem>>
      %dma_start3A = arith.constant 0 : i32
      %dma_start3A_29 = arith.constant 0 : i32
      %dma_start3A_30 = tpu.memref_slice %arg3[%add3A, %dma_start3A, %dma_start3A_29] : memref<32x100x16xf32, #tpu.memory_space<hbm>> -> memref<1x100x16xf32, #tpu.memory_space<hbm>>
      %dma_start3A_31 = tpu.memref_squeeze %dma_start3A_30 : memref<1x100x16xf32, #tpu.memory_space<hbm>> -> memref<100x16xf32, #tpu.memory_space<hbm>>
      %dma_start3A_32 = arith.constant 0 : i32
      %dma_start3A_33 = arith.constant 0 : i32
      %dma_start3A_34 = tpu.memref_slice %arg3[%add3A, %dma_start3A_32, %dma_start3A_33] : memref<32x100x16xf32, #tpu.memory_space<hbm>> -> memref<1x100x16xf32, #tpu.memory_space<hbm>>
      %dma_start3A_35 = tpu.memref_squeeze %dma_start3A_34 : memref<1x100x16xf32, #tpu.memory_space<hbm>> -> memref<100x16xf32, #tpu.memory_space<hbm>>
      tpu.enqueue_dma source(%arg6 : memref<100x16xf32, #tpu.memory_space<vmem>>) target(%dma_start3A_35 : memref<100x16xf32, #tpu.memory_space<hbm>>) target_semaphore(%run_scoped3A : memref<!tpu.dma_semaphore, #tpu.memory_space<semaphore_mem>>)
      %dma_wait3A = arith.constant 0 : i32
      %dma_wait3A_36 = arith.constant 0 : i32
      %dma_wait3A_37 = tpu.memref_slice %arg3[%add3A, %dma_wait3A, %dma_wait3A_36] : memref<32x100x16xf32, #tpu.memory_space<hbm>> -> memref<1x100x16xf32, #tpu.memory_space<hbm>>
      %dma_wait3A_38 = tpu.memref_squeeze %dma_wait3A_37 : memref<1x100x16xf32, #tpu.memory_space<hbm>> -> memref<100x16xf32, #tpu.memory_space<hbm>>
      %dma_wait3A_39 = arith.constant 0 : i32
      %dma_wait3A_40 = arith.constant 0 : i32
      %dma_wait3A_41 = tpu.memref_slice %arg3[%add3A, %dma_wait3A_39, %dma_wait3A_40] : memref<32x100x16xf32, #tpu.memory_space<hbm>> -> memref<1x100x16xf32, #tpu.memory_space<hbm>>
      %dma_wait3A_42 = tpu.memref_squeeze %dma_wait3A_41 : memref<1x100x16xf32, #tpu.memory_space<hbm>> -> memref<100x16xf32, #tpu.memory_space<hbm>>
      tpu.wait_dma2 semaphore(%run_scoped3A : memref<!tpu.dma_semaphore, #tpu.memory_space<semaphore_mem>>) src(%arg6 : memref<100x16xf32, #tpu.memory_space<vmem>>) dst(%dma_wait3A_42 : memref<100x16xf32, #tpu.memory_space<hbm>>)
      tpu.yield
    }) : () -> ()
    return
  }
}

module attributes {stable_mosaic.version = 14 : i64} {
  func.func @_tc_combine(%arg0: memref<100x15xf32, #tpu.memory_space<vmem>>, %arg1: memref<32x100x16xf32, #tpu.memory_space<vmem>>, %arg2: memref<1x1xi32, #tpu.memory_space<smem>>, %arg3: memref<1x1xf32, #tpu.memory_space<vmem>>) attributes {dimension_semantics = [], scalar_prefetch = 0 : i64, scratch_operands = 0 : i64, tpu.core_type = #tpu.core_type<tc>} {
    %get3A = arith.constant 0 : index
    %get3A_0 = arith.constant 0 : index
    %get3A_1 = arith.constant 0 : index
    %get3A_2 = vector.load %arg1[%get3A, %get3A_0, %get3A_1] : memref<32x100x16xf32, #tpu.memory_space<vmem>>, vector<32x100x16xf32>
    %reduce_sum3A = arith.constant dense<0.000000e+00> : vector<100x16xf32>
    %reduce_sum3A_3 = vector.multi_reduction <add>, %get3A_2, %reduce_sum3A [0] : vector<32x100x16xf32> to vector<100x16xf32>
    %get3A_4 = arith.constant 0 : index
    %get3A_5 = arith.constant 0 : index
    %get3A_6 = vector.load %arg0[%get3A_4, %get3A_5] : memref<100x15xf32, #tpu.memory_space<vmem>>, vector<100x15xf32>
    %slice3A = vector.extract_strided_slice %reduce_sum3A_3 {offsets = [0, 0], sizes = [100, 15], strides = [1, 1]} : vector<100x16xf32> to vector<100x15xf32>
    %sub3A = arith.subf %get3A_6, %slice3A : vector<100x15xf32>
    %abs3A = math.absf %sub3A : vector<100x15xf32>
    %get3A_7 = arith.constant 0 : index
    %get3A_8 = arith.constant 0 : index
    %get3A_9 = memref.load %arg2[%get3A_7, %get3A_8] : memref<1x1xi32, #tpu.memory_space<smem>>
    %add3A = arith.constant 1 : i32
    %add3A_10 = arith.addi %get3A_9, %add3A : i32
    %iota3A = tpu.iota {dimensions = array<i32: 0>} : vector<100x15xi32>
    %lt3A = vector.broadcast %add3A_10 : i32 to vector<100x15xi32>
    %lt3A_11 = arith.cmpi slt, %iota3A, %lt3A : vector<100x15xi32>
    %jit3A = arith.constant 0.000000e+00 : f32
    %broadcast_in_dim3A = vector.broadcast %jit3A : f32 to vector<100x15xf32>
    %select_n3A = arith.select %lt3A_11, %abs3A, %broadcast_in_dim3A : vector<100x15xi1>, vector<100x15xf32>
    %reduce_sum3A_12 = vector.shape_cast %select_n3A : vector<100x15xf32> to vector<1x100x15xf32>
    %reduce_sum3A_13 = arith.constant dense<0.000000e+00> : vector<1xf32>
    %reduce_sum3A_14 = vector.multi_reduction <add>, %reduce_sum3A_12, %reduce_sum3A_13 [1, 2] : vector<1x100x15xf32> to vector<1xf32>
    %reduce_sum3A_15 = vector.shape_cast %reduce_sum3A_14 : vector<1xf32> to vector<1x1x1xf32>
    %reduce_sum3A_16 = vector.extract %reduce_sum3A_15[0, 0, 0] : f32 from vector<1x1x1xf32>
    %broadcast_in_dim3A_17 = vector.broadcast %reduce_sum3A_16 : f32 to vector<1x1xf32>
    %convert_element_type3A = arith.sitofp %add3A_10 : i32 to f32
    %mul3A = arith.constant 2.621440e+05 : f32
    %mul3A_18 = arith.mulf %convert_element_type3A, %mul3A : f32
    %div3A = vector.broadcast %mul3A_18 : f32 to vector<1x1xf32>
    %div3A_19 = arith.divf %broadcast_in_dim3A_17, %div3A : vector<1x1xf32>
    %swap3A = arith.constant 0 : index
    %swap3A_20 = arith.constant 0 : index
    %swap3A_21 = vector.load %arg3[%swap3A, %swap3A_20] : memref<1x1xf32, #tpu.memory_space<vmem>>, vector<1x1xf32>
    tpu.vector_store %arg3[%swap3A, %swap3A_20], %div3A_19 {strides = array<i32>} : memref<1x1xf32, #tpu.memory_space<vmem>>, vector<1x1xf32>,
    return
  }
}

module attributes {stable_mosaic.version = 14 : i64} {
  func.func @_tc_main(%arg0: i32, %arg1: memref<100x4096xf32, #tpu.memory_space<vmem>>, %arg2: memref<1x1x4096xi32, #tpu.memory_space<vmem>>, %arg3: memref<100x15xf32, #tpu.memory_space<vmem>>, %arg4: memref<1x1x4096xi32, #tpu.memory_space<vmem>>, %arg5: memref<1x1xi32, #tpu.memory_space<vmem>>) attributes {dimension_semantics = [#tpu.dimension_semantics<arbitrary>], iteration_bounds = array<i64: 64>, scalar_prefetch = 0 : i64, scratch_operands = 0 : i64, tpu.core_type = #tpu.core_type<tc>, window_params = [{transform_indices = @transform_0, window_bounds = array<i64: 100, 4096>}, {transform_indices = @transform_1, window_bounds = array<i64: 1, 1, 4096>}, {pipeline_mode = #tpu.pipeline_mode<synchronous>, transform_indices = @transform_2, window_bounds = array<i64: 100, 15>}, {transform_indices = @transform_3, window_bounds = array<i64: 1, 1, 4096>}, {pipeline_mode = #tpu.pipeline_mode<synchronous>, transform_indices = @transform_4, window_bounds = array<i64: 1, 1>}]} {
    %get3A = arith.constant 0 : index
    %get3A_0 = arith.constant 0 : index
    %get3A_1 = vector.load %arg1[%get3A, %get3A_0] : memref<100x4096xf32, #tpu.memory_space<vmem>>, vector<100x4096xf32>
    %get3A_2 = arith.constant 0 : index
    %get3A_3 = arith.constant 0 : index
    %get3A_4 = arith.constant 0 : index
    %get3A_5 = vector.load %arg2[%get3A_2, %get3A_3, %get3A_4] : memref<1x1x4096xi32, #tpu.memory_space<vmem>>, vector<1x1x4096xi32>
    %get3A_6 = vector.shape_cast %get3A_5 : vector<1x1x4096xi32> to vector<1x4096xi32>
    %reduce_max3A = arith.constant dense<0xFF800000> : vector<4096xf32>
    %reduce_max3A_7 = vector.multi_reduction <maximumf>, %get3A_1, %reduce_max3A [0] : vector<100x4096xf32> to vector<4096xf32>
    %broadcast_in_dim3A = vector.shape_cast %reduce_max3A_7 : vector<4096xf32> to vector<1x4096xf32>
    %sub3A = vector.broadcast %broadcast_in_dim3A : vector<1x4096xf32> to vector<100x4096xf32>
    %sub3A_8 = arith.subf %get3A_1, %sub3A : vector<100x4096xf32>
    %exp3A = math.exp %sub3A_8 : vector<100x4096xf32>
    %reduce_sum3A = arith.constant dense<0.000000e+00> : vector<4096xf32>
    %reduce_sum3A_9 = vector.multi_reduction <add>, %exp3A, %reduce_sum3A [0] : vector<100x4096xf32> to vector<4096xf32>
    %broadcast_in_dim3A_10 = vector.shape_cast %reduce_sum3A_9 : vector<4096xf32> to vector<1x4096xf32>
    %div3A = arith.constant 1.000000e+00 : f32
    %div3A_11 = vector.broadcast %div3A : f32 to vector<1x4096xf32>
    %div3A_12 = arith.divf %div3A_11, %broadcast_in_dim3A_10 : vector<1x4096xf32>
    %mul3A = vector.broadcast %div3A_12 : vector<1x4096xf32> to vector<100x4096xf32>
    %mul3A_13 = arith.mulf %exp3A, %mul3A : vector<100x4096xf32>
    %mul3A_14 = arith.constant 1.500000e+01 : f32
    %mul3A_15 = vector.broadcast %mul3A_14 : f32 to vector<100x4096xf32>
    %mul3A_16 = arith.mulf %mul3A_13, %mul3A_15 : vector<100x4096xf32>
    %ceil3A = math.ceil %mul3A_16 : vector<100x4096xf32>
    %eq3A = arith.constant 2.000000e+00 : f32
    %eq3A_17 = vector.broadcast %eq3A : f32 to vector<100x4096xf32>
    %eq3A_18 = arith.cmpf oeq, %ceil3A, %eq3A_17 : vector<100x4096xf32>
    %jit3A = arith.constant 0.000000e+00 : f32
    %broadcast_in_dim3A_19 = vector.broadcast %jit3A : f32 to vector<100x4096xf32>
    %select_n3A = arith.select %eq3A_18, %mul3A_13, %broadcast_in_dim3A_19 : vector<100x4096xi1>, vector<100x4096xf32>
    %reduce_sum3A_20 = arith.constant dense<0.000000e+00> : vector<100xf32>
    %reduce_sum3A_21 = vector.multi_reduction <add>, %select_n3A, %reduce_sum3A_20 [1] : vector<100x4096xf32> to vector<100xf32>
    %broadcast_in_dim3A_22 = vector.shape_cast %reduce_sum3A_21 : vector<100xf32> to vector<100x1xf32>
    %eq3A_23 = arith.constant 3.000000e+00 : f32
    %eq3A_24 = vector.broadcast %eq3A_23 : f32 to vector<100x4096xf32>
    %eq3A_25 = arith.cmpf oeq, %ceil3A, %eq3A_24 : vector<100x4096xf32>
    %jit3A_26 = arith.constant 0.000000e+00 : f32
    %broadcast_in_dim3A_27 = vector.broadcast %jit3A_26 : f32 to vector<100x4096xf32>
    %select_n3A_28 = arith.select %eq3A_25, %mul3A_13, %broadcast_in_dim3A_27 : vector<100x4096xi1>, vector<100x4096xf32>
    %reduce_sum3A_29 = arith.constant dense<0.000000e+00> : vector<100xf32>
    %reduce_sum3A_30 = vector.multi_reduction <add>, %select_n3A_28, %reduce_sum3A_29 [1] : vector<100x4096xf32> to vector<100xf32>
    %broadcast_in_dim3A_31 = vector.shape_cast %reduce_sum3A_30 : vector<100xf32> to vector<100x1xf32>
    %eq3A_32 = arith.constant 4.000000e+00 : f32
    %eq3A_33 = vector.broadcast %eq3A_32 : f32 to vector<100x4096xf32>
    %eq3A_34 = arith.cmpf oeq, %ceil3A, %eq3A_33 : vector<100x4096xf32>
    %jit3A_35 = arith.constant 0.000000e+00 : f32
    %broadcast_in_dim3A_36 = vector.broadcast %jit3A_35 : f32 to vector<100x4096xf32>
    %select_n3A_37 = arith.select %eq3A_34, %mul3A_13, %broadcast_in_dim3A_36 : vector<100x4096xi1>, vector<100x4096xf32>
    %reduce_sum3A_38 = arith.constant dense<0.000000e+00> : vector<100xf32>
    %reduce_sum3A_39 = vector.multi_reduction <add>, %select_n3A_37, %reduce_sum3A_38 [1] : vector<100x4096xf32> to vector<100xf32>
    %broadcast_in_dim3A_40 = vector.shape_cast %reduce_sum3A_39 : vector<100xf32> to vector<100x1xf32>
    %eq3A_41 = arith.constant 5.000000e+00 : f32
    %eq3A_42 = vector.broadcast %eq3A_41 : f32 to vector<100x4096xf32>
    %eq3A_43 = arith.cmpf oeq, %ceil3A, %eq3A_42 : vector<100x4096xf32>
    %jit3A_44 = arith.constant 0.000000e+00 : f32
    %broadcast_in_dim3A_45 = vector.broadcast %jit3A_44 : f32 to vector<100x4096xf32>
    %select_n3A_46 = arith.select %eq3A_43, %mul3A_13, %broadcast_in_dim3A_45 : vector<100x4096xi1>, vector<100x4096xf32>
    %reduce_sum3A_47 = arith.constant dense<0.000000e+00> : vector<100xf32>
    %reduce_sum3A_48 = vector.multi_reduction <add>, %select_n3A_46, %reduce_sum3A_47 [1] : vector<100x4096xf32> to vector<100xf32>
    %broadcast_in_dim3A_49 = vector.shape_cast %reduce_sum3A_48 : vector<100xf32> to vector<100x1xf32>
    %eq3A_50 = arith.constant 6.000000e+00 : f32
    %eq3A_51 = vector.broadcast %eq3A_50 : f32 to vector<100x4096xf32>
    %eq3A_52 = arith.cmpf oeq, %ceil3A, %eq3A_51 : vector<100x4096xf32>
    %jit3A_53 = arith.constant 0.000000e+00 : f32
    %broadcast_in_dim3A_54 = vector.broadcast %jit3A_53 : f32 to vector<100x4096xf32>
    %select_n3A_55 = arith.select %eq3A_52, %mul3A_13, %broadcast_in_dim3A_54 : vector<100x4096xi1>, vector<100x4096xf32>
    %reduce_sum3A_56 = arith.constant dense<0.000000e+00> : vector<100xf32>
    %reduce_sum3A_57 = vector.multi_reduction <add>, %select_n3A_55, %reduce_sum3A_56 [1] : vector<100x4096xf32> to vector<100xf32>
    %broadcast_in_dim3A_58 = vector.shape_cast %reduce_sum3A_57 : vector<100xf32> to vector<100x1xf32>
    %eq3A_59 = arith.constant 7.000000e+00 : f32
    %eq3A_60 = vector.broadcast %eq3A_59 : f32 to vector<100x4096xf32>
    %eq3A_61 = arith.cmpf oeq, %ceil3A, %eq3A_60 : vector<100x4096xf32>
    %jit3A_62 = arith.constant 0.000000e+00 : f32
    %broadcast_in_dim3A_63 = vector.broadcast %jit3A_62 : f32 to vector<100x4096xf32>
    %select_n3A_64 = arith.select %eq3A_61, %mul3A_13, %broadcast_in_dim3A_63 : vector<100x4096xi1>, vector<100x4096xf32>
    %reduce_sum3A_65 = arith.constant dense<0.000000e+00> : vector<100xf32>
    %reduce_sum3A_66 = vector.multi_reduction <add>, %select_n3A_64, %reduce_sum3A_65 [1] : vector<100x4096xf32> to vector<100xf32>
    %broadcast_in_dim3A_67 = vector.shape_cast %reduce_sum3A_66 : vector<100xf32> to vector<100x1xf32>
    %eq3A_68 = arith.constant 8.000000e+00 : f32
    %eq3A_69 = vector.broadcast %eq3A_68 : f32 to vector<100x4096xf32>
    %eq3A_70 = arith.cmpf oeq, %ceil3A, %eq3A_69 : vector<100x4096xf32>
    %jit3A_71 = arith.constant 0.000000e+00 : f32
    %broadcast_in_dim3A_72 = vector.broadcast %jit3A_71 : f32 to vector<100x4096xf32>
    %select_n3A_73 = arith.select %eq3A_70, %mul3A_13, %broadcast_in_dim3A_72 : vector<100x4096xi1>, vector<100x4096xf32>
    %reduce_sum3A_74 = arith.constant dense<0.000000e+00> : vector<100xf32>
    %reduce_sum3A_75 = vector.multi_reduction <add>, %select_n3A_73, %reduce_sum3A_74 [1] : vector<100x4096xf32> to vector<100xf32>
    %broadcast_in_dim3A_76 = vector.shape_cast %reduce_sum3A_75 : vector<100xf32> to vector<100x1xf32>
    %eq3A_77 = arith.constant 9.000000e+00 : f32
    %eq3A_78 = vector.broadcast %eq3A_77 : f32 to vector<100x4096xf32>
    %eq3A_79 = arith.cmpf oeq, %ceil3A, %eq3A_78 : vector<100x4096xf32>
    %jit3A_80 = arith.constant 0.000000e+00 : f32
    %broadcast_in_dim3A_81 = vector.broadcast %jit3A_80 : f32 to vector<100x4096xf32>
    %select_n3A_82 = arith.select %eq3A_79, %mul3A_13, %broadcast_in_dim3A_81 : vector<100x4096xi1>, vector<100x4096xf32>
    %reduce_sum3A_83 = arith.constant dense<0.000000e+00> : vector<100xf32>
    %reduce_sum3A_84 = vector.multi_reduction <add>, %select_n3A_82, %reduce_sum3A_83 [1] : vector<100x4096xf32> to vector<100xf32>
    %broadcast_in_dim3A_85 = vector.shape_cast %reduce_sum3A_84 : vector<100xf32> to vector<100x1xf32>
    %eq3A_86 = arith.constant 1.000000e+01 : f32
    %eq3A_87 = vector.broadcast %eq3A_86 : f32 to vector<100x4096xf32>
    %eq3A_88 = arith.cmpf oeq, %ceil3A, %eq3A_87 : vector<100x4096xf32>
    %jit3A_89 = arith.constant 0.000000e+00 : f32
    %broadcast_in_dim3A_90 = vector.broadcast %jit3A_89 : f32 to vector<100x4096xf32>
    %select_n3A_91 = arith.select %eq3A_88, %mul3A_13, %broadcast_in_dim3A_90 : vector<100x4096xi1>, vector<100x4096xf32>
    %reduce_sum3A_92 = arith.constant dense<0.000000e+00> : vector<100xf32>
    %reduce_sum3A_93 = vector.multi_reduction <add>, %select_n3A_91, %reduce_sum3A_92 [1] : vector<100x4096xf32> to vector<100xf32>
    %broadcast_in_dim3A_94 = vector.shape_cast %reduce_sum3A_93 : vector<100xf32> to vector<100x1xf32>
    %eq3A_95 = arith.constant 1.100000e+01 : f32
    %eq3A_96 = vector.broadcast %eq3A_95 : f32 to vector<100x4096xf32>
    %eq3A_97 = arith.cmpf oeq, %ceil3A, %eq3A_96 : vector<100x4096xf32>
    %jit3A_98 = arith.constant 0.000000e+00 : f32
    %broadcast_in_dim3A_99 = vector.broadcast %jit3A_98 : f32 to vector<100x4096xf32>
    %select_n3A_100 = arith.select %eq3A_97, %mul3A_13, %broadcast_in_dim3A_99 : vector<100x4096xi1>, vector<100x4096xf32>
    %reduce_sum3A_101 = arith.constant dense<0.000000e+00> : vector<100xf32>
    %reduce_sum3A_102 = vector.multi_reduction <add>, %select_n3A_100, %reduce_sum3A_101 [1] : vector<100x4096xf32> to vector<100xf32>
    %broadcast_in_dim3A_103 = vector.shape_cast %reduce_sum3A_102 : vector<100xf32> to vector<100x1xf32>
    %eq3A_104 = arith.constant 1.200000e+01 : f32
    %eq3A_105 = vector.broadcast %eq3A_104 : f32 to vector<100x4096xf32>
    %eq3A_106 = arith.cmpf oeq, %ceil3A, %eq3A_105 : vector<100x4096xf32>
    %jit3A_107 = arith.constant 0.000000e+00 : f32
    %broadcast_in_dim3A_108 = vector.broadcast %jit3A_107 : f32 to vector<100x4096xf32>
    %select_n3A_109 = arith.select %eq3A_106, %mul3A_13, %broadcast_in_dim3A_108 : vector<100x4096xi1>, vector<100x4096xf32>
    %reduce_sum3A_110 = arith.constant dense<0.000000e+00> : vector<100xf32>
    %reduce_sum3A_111 = vector.multi_reduction <add>, %select_n3A_109, %reduce_sum3A_110 [1] : vector<100x4096xf32> to vector<100xf32>
    %broadcast_in_dim3A_112 = vector.shape_cast %reduce_sum3A_111 : vector<100xf32> to vector<100x1xf32>
    %eq3A_113 = arith.constant 1.300000e+01 : f32
    %eq3A_114 = vector.broadcast %eq3A_113 : f32 to vector<100x4096xf32>
    %eq3A_115 = arith.cmpf oeq, %ceil3A, %eq3A_114 : vector<100x4096xf32>
    %jit3A_116 = arith.constant 0.000000e+00 : f32
    %broadcast_in_dim3A_117 = vector.broadcast %jit3A_116 : f32 to vector<100x4096xf32>
    %select_n3A_118 = arith.select %eq3A_115, %mul3A_13, %broadcast_in_dim3A_117 : vector<100x4096xi1>, vector<100x4096xf32>
    %reduce_sum3A_119 = arith.constant dense<0.000000e+00> : vector<100xf32>
    %reduce_sum3A_120 = vector.multi_reduction <add>, %select_n3A_118, %reduce_sum3A_119 [1] : vector<100x4096xf32> to vector<100xf32>
    %broadcast_in_dim3A_121 = vector.shape_cast %reduce_sum3A_120 : vector<100xf32> to vector<100x1xf32>
    %eq3A_122 = arith.constant 1.400000e+01 : f32
    %eq3A_123 = vector.broadcast %eq3A_122 : f32 to vector<100x4096xf32>
    %eq3A_124 = arith.cmpf oeq, %ceil3A, %eq3A_123 : vector<100x4096xf32>
    %jit3A_125 = arith.constant 0.000000e+00 : f32
    %broadcast_in_dim3A_126 = vector.broadcast %jit3A_125 : f32 to vector<100x4096xf32>
    %select_n3A_127 = arith.select %eq3A_124, %mul3A_13, %broadcast_in_dim3A_126 : vector<100x4096xi1>, vector<100x4096xf32>
    %reduce_sum3A_128 = arith.constant dense<0.000000e+00> : vector<100xf32>
    %reduce_sum3A_129 = vector.multi_reduction <add>, %select_n3A_127, %reduce_sum3A_128 [1] : vector<100x4096xf32> to vector<100xf32>
    %broadcast_in_dim3A_130 = vector.shape_cast %reduce_sum3A_129 : vector<100xf32> to vector<100x1xf32>
    %eq3A_131 = arith.constant 1.500000e+01 : f32
    %eq3A_132 = vector.broadcast %eq3A_131 : f32 to vector<100x4096xf32>
    %eq3A_133 = arith.cmpf oeq, %ceil3A, %eq3A_132 : vector<100x4096xf32>
    %jit3A_134 = arith.constant 0.000000e+00 : f32
    %broadcast_in_dim3A_135 = vector.broadcast %jit3A_134 : f32 to vector<100x4096xf32>
    %select_n3A_136 = arith.select %eq3A_133, %mul3A_13, %broadcast_in_dim3A_135 : vector<100x4096xi1>, vector<100x4096xf32>
    %reduce_sum3A_137 = arith.constant dense<0.000000e+00> : vector<100xf32>
    %reduce_sum3A_138 = vector.multi_reduction <add>, %select_n3A_136, %reduce_sum3A_137 [1] : vector<100x4096xf32> to vector<100xf32>
    %broadcast_in_dim3A_139 = vector.shape_cast %reduce_sum3A_138 : vector<100xf32> to vector<100x1xf32>
    %reduce_sum3A_140 = arith.constant dense<0.000000e+00> : vector<100xf32>
    %reduce_sum3A_141 = vector.multi_reduction <add>, %mul3A_13, %reduce_sum3A_140 [1] : vector<100x4096xf32> to vector<100xf32>
    %broadcast_in_dim3A_142 = vector.shape_cast %reduce_sum3A_141 : vector<100xf32> to vector<100x1xf32>
    %add3A = arith.addf %broadcast_in_dim3A_22, %broadcast_in_dim3A_31 : vector<100x1xf32>
    %add3A_143 = arith.addf %add3A, %broadcast_in_dim3A_40 : vector<100x1xf32>
    %add3A_144 = arith.addf %add3A_143, %broadcast_in_dim3A_49 : vector<100x1xf32>
    %add3A_145 = arith.addf %add3A_144, %broadcast_in_dim3A_58 : vector<100x1xf32>
    %add3A_146 = arith.addf %add3A_145, %broadcast_in_dim3A_67 : vector<100x1xf32>
    %add3A_147 = arith.addf %add3A_146, %broadcast_in_dim3A_76 : vector<100x1xf32>
    %add3A_148 = arith.addf %add3A_147, %broadcast_in_dim3A_85 : vector<100x1xf32>
    %add3A_149 = arith.addf %add3A_148, %broadcast_in_dim3A_94 : vector<100x1xf32>
    %add3A_150 = arith.addf %add3A_149, %broadcast_in_dim3A_103 : vector<100x1xf32>
    %add3A_151 = arith.addf %add3A_150, %broadcast_in_dim3A_112 : vector<100x1xf32>
    %add3A_152 = arith.addf %add3A_151, %broadcast_in_dim3A_121 : vector<100x1xf32>
    %add3A_153 = arith.addf %add3A_152, %broadcast_in_dim3A_130 : vector<100x1xf32>
    %add3A_154 = arith.addf %add3A_153, %broadcast_in_dim3A_139 : vector<100x1xf32>
    %sub3A_155 = arith.subf %broadcast_in_dim3A_142, %add3A_154 : vector<100x1xf32>
    %concatenate3A = tpu.concatenate %sub3A_155, %broadcast_in_dim3A_22, %broadcast_in_dim3A_31, %broadcast_in_dim3A_40, %broadcast_in_dim3A_49, %broadcast_in_dim3A_58, %broadcast_in_dim3A_67, %broadcast_in_dim3A_76, %broadcast_in_dim3A_85, %broadcast_in_dim3A_94, %broadcast_in_dim3A_103, %broadcast_in_dim3A_112, %broadcast_in_dim3A_121, %broadcast_in_dim3A_130, %broadcast_in_dim3A_139 in 1 : vector<100x1xf32>, vector<100x1xf32>, vector<100x1xf32>, vector<100x1xf32>, vector<100x1xf32>, vector<100x1xf32>, vector<100x1xf32>, vector<100x1xf32>, vector<100x1xf32>, vector<100x1xf32>, vector<100x1xf32>, vector<100x1xf32>, vector<100x1xf32>, vector<100x1xf32>, vector<100x1xf32> -> vector<100x15xf32>
    %iota3A = tpu.iota {dimensions = array<i32: 0>} : vector<100x4096xi32>
    %eq3A_156 = vector.broadcast %get3A_6 : vector<1x4096xi32> to vector<100x4096xi32>
    %eq3A_157 = arith.cmpi eq, %iota3A, %eq3A_156 : vector<100x4096xi32>
    %jit3A_158 = arith.constant 0.000000e+00 : f32
    %broadcast_in_dim3A_159 = vector.broadcast %jit3A_158 : f32 to vector<100x4096xf32>
    %select_n3A_160 = arith.select %eq3A_157, %mul3A_13, %broadcast_in_dim3A_159 : vector<100x4096xi1>, vector<100x4096xf32>
    %reduce_sum3A_161 = arith.constant dense<0.000000e+00> : vector<4096xf32>
    %reduce_sum3A_162 = vector.multi_reduction <add>, %select_n3A_160, %reduce_sum3A_161 [0] : vector<100x4096xf32> to vector<4096xf32>
    %broadcast_in_dim3A_163 = vector.shape_cast %reduce_sum3A_162 : vector<4096xf32> to vector<1x4096xf32>
    %mul3A_164 = arith.constant 1.500000e+01 : f32
    %mul3A_165 = vector.broadcast %mul3A_164 : f32 to vector<1x4096xf32>
    %mul3A_166 = arith.mulf %broadcast_in_dim3A_163, %mul3A_165 : vector<1x4096xf32>
    %ceil3A_167 = math.ceil %mul3A_166 : vector<1x4096xf32>
    %sub3A_168 = arith.constant 1.000000e+00 : f32
    %sub3A_169 = vector.broadcast %sub3A_168 : f32 to vector<1x4096xf32>
    %sub3A_170 = arith.subf %ceil3A_167, %sub3A_169 : vector<1x4096xf32>
    %jit3A_171 = arith.constant 0.000000e+00 : f32
    %jit3A_172 = arith.constant 1.400000e+01 : f32
    %max3A = vector.broadcast %jit3A_171 : f32 to vector<1x4096xf32>
    %max3A_173 = arith.maximumf %max3A, %sub3A_170 : vector<1x4096xf32>
    %min3A = vector.broadcast %jit3A_172 : f32 to vector<1x4096xf32>
    %min3A_174 = arith.minimumf %min3A, %max3A_173 : vector<1x4096xf32>
    %convert_element_type3A = arith.fptosi %min3A_174 : vector<1x4096xf32> to vector<1x4096xi32>
    %mul3A_175 = arith.constant 16 : i32
    %mul3A_176 = vector.broadcast %mul3A_175 : i32 to vector<1x4096xi32>
    %mul3A_177 = arith.muli %get3A_6, %mul3A_176 : vector<1x4096xi32>
    %add3A_178 = arith.addi %convert_element_type3A, %mul3A_177 : vector<1x4096xi32>
    %swap3A = arith.constant 0 : index
    %swap3A_179 = arith.constant 0 : index
    %swap3A_180 = arith.constant 0 : index
    %swap3A_181 = vector.load %arg4[%swap3A, %swap3A_179, %swap3A_180] : memref<1x1x4096xi32, #tpu.memory_space<vmem>>, vector<1x1x4096xi32>
    %swap3A_182 = vector.shape_cast %swap3A_181 : vector<1x1x4096xi32> to vector<1x4096xi32>
    %swap3A_183 = vector.shape_cast %add3A_178 : vector<1x4096xi32> to vector<1x1x4096xi32>
    tpu.vector_store %arg4[%swap3A, %swap3A_179, %swap3A_180], %swap3A_183 {strides = array<i32>} : memref<1x1x4096xi32, #tpu.memory_space<vmem>>, vector<1x1x4096xi32>,
    %reduce_max3A_184 = arith.constant dense<-2147483648> : vector<1xi32>
    %reduce_max3A_185 = vector.multi_reduction <maxsi>, %get3A_6, %reduce_max3A_184 [1] : vector<1x4096xi32> to vector<1xi32>
    %broadcast_in_dim3A_186 = vector.shape_cast %reduce_max3A_185 : vector<1xi32> to vector<1x1xi32>
    %eq3A_187 = arith.constant 0 : i32
    %eq3A_188 = arith.cmpi eq, %arg0, %eq3A_187 : i32
    %convert_element_type3A_189 = arith.extui %eq3A_188 : i1 to i32
    %cond3A = arith.constant 0 : i32
    %cond3A_190 = arith.cmpi ne, %convert_element_type3A_189, %cond3A : i32
    scf.if %cond3A_190 {
      %swap3A_195 = arith.constant 0 : index
      %swap3A_196 = arith.constant 0 : index
      %swap3A_197 = vector.load %arg3[%swap3A_195, %swap3A_196] : memref<100x15xf32, #tpu.memory_space<vmem>>, vector<100x15xf32>
      tpu.vector_store %arg3[%swap3A_195, %swap3A_196], %concatenate3A {strides = array<i32>} : memref<100x15xf32, #tpu.memory_space<vmem>>, vector<100x15xf32>,
      %swap3A_198 = arith.constant 0 : index
      %swap3A_199 = arith.constant 0 : index
      %swap3A_200 = vector.load %arg5[%swap3A_198, %swap3A_199] : memref<1x1xi32, #tpu.memory_space<vmem>>, vector<1x1xi32>
      tpu.vector_store %arg5[%swap3A_198, %swap3A_199], %broadcast_in_dim3A_186 {strides = array<i32>} : memref<1x1xi32, #tpu.memory_space<vmem>>, vector<1x1xi32>,
    } else {
    }
    %gt3A = arith.constant 0 : i32
    %gt3A_191 = arith.cmpi sgt, %arg0, %gt3A : i32
    %convert_element_type3A_192 = arith.extui %gt3A_191 : i1 to i32
    %cond3A_193 = arith.constant 0 : i32
    %cond3A_194 = arith.cmpi ne, %convert_element_type3A_192, %cond3A_193 : i32
    scf.if %cond3A_194 {
      %get3A_195 = arith.constant 0 : index
      %get3A_196 = arith.constant 0 : index
      %get3A_197 = vector.load %arg3[%get3A_195, %get3A_196] : memref<100x15xf32, #tpu.memory_space<vmem>>, vector<100x15xf32>
      %add3A_198 = arith.addf %get3A_197, %concatenate3A : vector<100x15xf32>
      %swap3A_199 = arith.constant 0 : index
      %swap3A_200 = arith.constant 0 : index
      %swap3A_201 = vector.load %arg3[%swap3A_199, %swap3A_200] : memref<100x15xf32, #tpu.memory_space<vmem>>, vector<100x15xf32>
      tpu.vector_store %arg3[%swap3A_199, %swap3A_200], %add3A_198 {strides = array<i32>} : memref<100x15xf32, #tpu.memory_space<vmem>>, vector<100x15xf32>,
      %get3A_202 = arith.constant 0 : index
      %get3A_203 = arith.constant 0 : index
      %get3A_204 = vector.load %arg5[%get3A_202, %get3A_203] : memref<1x1xi32, #tpu.memory_space<vmem>>, vector<1x1xi32>
      %max3A_205 = arith.maxsi %get3A_204, %broadcast_in_dim3A_186 : vector<1x1xi32>
      %swap3A_206 = arith.constant 0 : index
      %swap3A_207 = arith.constant 0 : index
      %swap3A_208 = vector.load %arg5[%swap3A_206, %swap3A_207] : memref<1x1xi32, #tpu.memory_space<vmem>>, vector<1x1xi32>
      tpu.vector_store %arg5[%swap3A_206, %swap3A_207], %max3A_205 {strides = array<i32>} : memref<1x1xi32, #tpu.memory_space<vmem>>, vector<1x1xi32>,
    } else {
    }
    return
  }
  func.func @transform_0(%arg0: i32) -> (i32, i32) {
    %c0_i32 = arith.constant 0 : i32
    %c0_i32_0 = arith.constant 0 : i32
    return %c0_i32, %arg0 : i32, i32
  }
  func.func @transform_1(%arg0: i32) -> (i32, i32, i32) {
    %c0_i32 = arith.constant 0 : i32
    %c0_i32_0 = arith.constant 0 : i32
    %c0_i32_1 = arith.constant 0 : i32
    return %arg0, %c0_i32, %c0_i32_0 : i32, i32, i32
  }
  func.func @transform_2(%arg0: i32) -> (i32, i32) {
    %c0_i32 = arith.constant 0 : i32
    %c0_i32_0 = arith.constant 0 : i32
    %c0_i32_1 = arith.constant 0 : i32
    return %c0_i32, %c0_i32_0 : i32, i32
  }
  func.func @transform_3(%arg0: i32) -> (i32, i32, i32) {
    %c0_i32 = arith.constant 0 : i32
    %c0_i32_0 = arith.constant 0 : i32
    %c0_i32_1 = arith.constant 0 : i32
    return %arg0, %c0_i32, %c0_i32_0 : i32, i32, i32
  }
  func.func @transform_4(%arg0: i32) -> (i32, i32) {
    %c0_i32 = arith.constant 0 : i32
    %c0_i32_0 = arith.constant 0 : i32
    %c0_i32_1 = arith.constant 0 : i32
    return %c0_i32, %c0_i32_0 : i32, i32
  }
}

</mosaic_0001>

<sc_bundles>
// kernel: kernel.5.cloned.1.call-start
scs
__scs_entry_jumppad:
0x0: {  	(pc) =	sbr.rel $0x88, $3  }
0x1: {  	(tag) =	ssettag $0x0;
	lr =	simm.s32 $0x1  }
0x2: {  	[smem:$0x3F9F] =	sst lr;
	_ =	strace $0xD0000000  }
0x3: {  	_ = 	snop  }
0x4: {  	_ = 	snop  }
0x5: {  	_ = 	snop  }
0x6: {  	_ = 	snop  }
0x7: {  	_ = 	snop  }
__scs_overlays_trampoline_lowered:
0x8: {  	[smem:$0x3FAE] =	sst s0  }
0x9: {  	[smem:$0x3FAF] =	sst s1  }
0xa: {  	[smem:$0x3FB0] =	sst s2  }
0xb: {  	[smem:$0x3FB1] =	sst s3  }
0xc: {  	[smem:$0x3FB2] =	sst s4  }
0xd: {  	[smem:$0x3FB3] =	sst s5  }
0xe: {  	[smem:$0x3FB4] =	sst s6  }
0xf: {  	[smem:$0x3FB5] =	sst s7  }
0x10: {  	[smem:$0x3FB6] =	sst s8  }
0x11: {  	[smem:$0x3FB7] =	sst s9;
	s0 =	simm.s32 @!p0 $0x0  }
0x12: {  	s1 =	sld [smem:$0x3F9D];
	s0 =	simm.s32 @p0 $0x1  }
0x13: {  	[smem:$0x3FB8] =	sst s0;
	s0 =	simm.s32 @!p1 $0x0  }
0x14: {  	s2 =	sld [smem:$0x3F9C];
	s0 =	simm.s32 @p1 $0x1  }
0x15: {  	[smem:$0x3FB9] =	sst s0;
	s0 =	simm.s32 @!p2 $0x0  }
0x16: {  	s3 =	sld [smem:$0x3FDB];
	s0 =	simm.s32 @p2 $0x1  }
0x17: {  	s4 =	simm.s32 $0x1BF5;
	[smem:$0x3FBB] =	sst s0  }
0x18: {  	s0 =	sld [smem:$0x3F9E];
	_ =	swait.ge [sflag:s4], $0x0  }
0x19: {  	s7 =	sld [smem:$0x3F9F]  }
0x1a: {  	s8 =	sadd.s32 $0xFFFFE003, lr  }
0x1b: {  	s9 =	sadd.s32 $0xFFFFFEF7, lr;
	s5 =	simm.s32 $0xFFFFFFFF;
	p2 =	slt.u32 s8, $0xFFFFF086  }
0x1c: {  	p1 =	slt.u32 s9, $0xF7A;
	s5 =	simm.s32 @!p2 $0x0  }
0x1d: {  	s5 =	simm.s32 @p1 $0x1;
	p0 =	seq.s32 s7, s2  }
0x1e: {  	s7 =	smul.u32 @!p0 $0xF7A, s2;
	p2 =	seq.s32 @!p0 s5, $0x0  }
0x1f: {  	s9 =	smul.u32 $0xF7A, s1;
	s8 =	simm.s32 @!p0 $0x1BF5;
	p2 =	por !p2, p0  }
0x20: {  	[sflag:s8] =	ssyncset.s32 @!p0 $0xFFFFF086;
	s6 =	sadd.s32 @!p0 s3, s7;
	s7 =	simm.s32 @!p0 $0x108  }
0x21: {  	s3 =	sadd.s32 s3, s9;
	s6 =	sadd.s32 @!p0 $0x88, s6;
	s7 =	simm.s32 @p2 $0x1082  }
0x22: {  	[simem:s7], [sflag:s8] =	dma.local @!p0 [hbm:s6], $0xF7A  }
0x23: {  	s9 =	sor.u32 $0xD0000000, s2;
	s6 =	simm.s32 $0x108;
	_ =	swait.ge @!p0 [sflag:s8], $0x0  }
0x24: {  	s3 =	sadd.s32 $0x88, s3;
	s6 =	simm.s32 @!p1 $0x1082;
	[sflag:s4] =	ssyncset.s32 $0xFFFFF086  }
0x25: {  	[simem:s6], [sflag:s4] =	dma.local [hbm:s3], $0xF7A  }
0x26: {  	[smem:$0x3F9F] =	sst s1;
	(tag) =	ssettag s2;
	_ =	strace s9  }
0x27: {  	s1 =	sld [smem:$0x3FAF]  }
0x28: {  	s2 =	sld [smem:$0x3FB0]  }
0x29: {  	s4 =	sld [smem:$0x3FB2]  }
0x2a: {  	p0 =	seq.s32 s5, $0x0;
	s5 =	sld [smem:$0x3FB3]  }
0x2b: {  	s6 =	sld [smem:$0x3FB4]  }
0x2c: {  	s7 =	sld [smem:$0x3FB5]  }
0x2d: {  	s3 =	simm.s32 $0x108;
	s8 =	sld [smem:$0x3FB6]  }
0x2e: {  	s3 =	simm.s32 @!p0 $0x1082;
	s9 =	sld [smem:$0x3FB7]  }
0x2f: {  	lr =	sadd.s32 s0, s3;
	s0 =	sld [smem:$0x3FAE]  }
0x30: {  	s3 =	sld [smem:$0x3FB1]  }
0x31: {  	[smem:$0x3FBA] =	sst s10  }
0x32: {  	s10 =	sld [smem:$0x3FB8];
	_ =	sdelay $0x3  }
0x33: {  	p0 =	seq.s32 s10, $0x1;
	s10 =	sld [smem:$0x3FBA];
	_ =	sdelay $0x3  }
0x34: {  	[smem:$0x3FBA] =	sst s10  }
0x35: {  	s10 =	sld [smem:$0x3FB9];
	_ =	sdelay $0x3  }
0x36: {  	p1 =	seq.s32 s10, $0x1;
	s10 =	sld [smem:$0x3FBA];
	_ =	sdelay $0x3  }
0x37: {  	[smem:$0x3FBA] =	sst s10  }
0x38: {  	s10 =	sld [smem:$0x3FBB]  }
0x39: {  	_ = 	snop;
	(pc) =	sbr.ind lr, $3  }
0x3a: {  	_ = 	snop  }
0x3b: {  	_ = 	snop  }
0x3c: {  	p2 =	seq.s32 s10, $0x1;
	s10 =	sld [smem:$0x3FBA]  }
0x3d: {  	_ =	shalt  }
0x3e: {  	_ =	shalt  }
0x3f: {  	_ =	shalt  }
0x40: {  	_ =	shalt  }
0x41: {  	_ =	shalt  }
0x42: {  	_ =	shalt  }
0x43: {  	_ =	shalt  }
0x44: {  	_ =	shalt  }
0x45: {  	_ =	shalt  }
0x46: {  	_ =	shalt  }
0x47: {  	_ =	shalt  }
0x48: {  	_ =	shalt  }
0x49: {  	_ =	shalt  }
0x4a: {  	_ =	shalt  }
0x4b: {  	_ =	shalt  }
0x4c: {  	_ =	shalt  }
0x4d: {  	_ =	shalt  }
0x4e: {  	_ =	shalt  }
0x4f: {  	_ =	shalt  }
0x50: {  	_ =	shalt  }
0x51: {  	_ =	shalt  }
0x52: {  	_ =	shalt  }
0x53: {  	_ =	shalt  }
0x54: {  	_ =	shalt  }
0x55: {  	_ =	shalt  }
0x56: {  	_ =	shalt  }
0x57: {  	_ =	shalt  }
0x58: {  	_ =	shalt  }
0x59: {  	_ =	shalt  }
0x5a: {  	_ =	shalt  }
0x5b: {  	_ =	shalt  }
0x5c: {  	_ =	shalt  }
0x5d: {  	_ =	shalt  }
0x5e: {  	_ =	shalt  }
0x5f: {  	_ =	shalt  }
0x60: {  	_ =	shalt  }
0x61: {  	_ =	shalt  }
0x62: {  	_ =	shalt  }
0x63: {  	_ =	shalt  }
0x64: {  	_ =	shalt  }
0x65: {  	_ =	shalt  }
0x66: {  	_ =	shalt  }
0x67: {  	_ =	shalt  }
0x68: {  	_ =	shalt  }
0x69: {  	_ =	shalt  }
0x6a: {  	_ =	shalt  }
0x6b: {  	_ =	shalt  }
0x6c: {  	_ =	shalt  }
0x6d: {  	_ =	shalt  }
0x6e: {  	_ =	shalt  }
0x6f: {  	_ =	shalt  }
0x70: {  	_ =	shalt  }
0x71: {  	_ =	shalt  }
0x72: {  	_ =	shalt  }
0x73: {  	_ =	shalt  }
0x74: {  	_ =	shalt  }
0x75: {  	_ =	shalt  }
0x76: {  	_ =	shalt  }
0x77: {  	_ =	shalt  }
0x78: {  	_ =	shalt  }
0x79: {  	_ =	shalt  }
0x7a: {  	_ =	shalt  }
0x7b: {  	_ =	shalt  }
0x7c: {  	_ =	shalt  }
0x7d: {  	_ =	shalt  }
0x7e: {  	_ =	shalt  }
0x7f: {  	_ =	shalt  }
0x80: {  	_ =	shalt  }
0x81: {  	_ =	shalt  }
0x82: {  	_ =	shalt  }
0x83: {  	_ =	shalt  }
0x84: {  	_ =	shalt  }
0x85: {  	_ =	shalt  }
0x86: {  	_ =	shalt  }
0x87: {  	_ =	shalt  }
.Lfunc_end0:
.L_simem_size_0:
called_computation_lowered:
.L_overlay_start_0:
0x88: {  	s2 =	sld [smem:$0x3FD9]  }
0x89: {  	s3 =	sld [smem:$0x3FFE];
	_ =	sdelay $0x1  }
0x8a: {  	s1 =	srdreg.scid  }
0x8b: {  	s0 =	sand.u32 $0x1, s1  }
0x8c: {  	s16 =	sshll.u32 s0, $0xA;
	s2 =	sadd.s32 s3, s2  }
0x8d: {  	s2 =	sadd.s32 s2, s16  }
0x8e: {  	[smem:$0x3FC6] =	sst s2  }
0x8f: {  	_ = 	snop  }
0x90: {  	(tm) =	ssettm $0x1  }
0x91: {  	s17 =	sld [smem:$0x3FFB];
	_ =	sdelay $0x3  }
0x92: {  	_ =	strace s17  }
0x93: {  	s2 =	sld [smem:$0x3FFC];
	_ =	sdelay $0x3  }
0x94: {  	_ =	strace s2  }
0x95: {  	s2 =	sld [smem:$0x3FFD];
	_ =	sdelay $0x3  }
0x96: {  	_ =	strace s2  }
0x97: {  	_ =	strace $0x8FFFFFFF  }
0x98: {  	s18 =	sld [smem:$0x3FDB];
	_ =	sdelay $0x1  }
0x99: {  	s19 =	simm.s32 $_scs_section_size  }
0x9a: {  	s4 =	simm.s32 $_size__tile_overlayer_lowered;
	s5 =	simm.s32 $_tile_overlayer_lowered  }
0x9b: {  	s22 =	simm.s32 $0x1BFF;
	s21 =	sshll.u32 s5, $0x1;
	s2 =	sadd.s32 s19, s18  }
0x9c: {  	s6 =	simm.s32 $0x0;
	s20 =	sshll.u32 s4, $0x1;
	s4 =	sadd.s32 s21, s2  }
0x9d: {  	[timem:s6], [sflag:s22] =	dma.local [hbm:s4], s20  }
0x9e: {  	_ =	swait.ge [sflag:s22], s20  }
0x9f: {  	s3 =	ssub.s32 $0x0, s20;
	[sflag:s22] =	ssyncset.done $0x0  }
0xa0: {  	[sflag:s22] =	ssyncadd.s32 s3;
	_ =	sdelay $0x1  }
0xa1: {  	s23 =	simm.s32 $0x1B8B  }
0xa2: {  	_ =	swait.ge [sflag:s23], $0x1  }
0xa3: {  	[sflag:s23] =	ssyncset.done $0x0  }
0xa4: {  	s25 =	simm.s32 $0x1B8E;
	s24 =	sld [smem:$0x3FFE];
	[sflag:s23] =	ssyncadd.s32 $0xFFFFFFFF  }
0xa5: {  	s26 =	simm.s32 $execute0_lowered;
	[smem:$0x3FD2] =	sst s25  }
0xa6: {  	s4 =	sshll.u32 s26, $0x1;
	_ =	strace $0x80000046;
	[dreg:$0x1] =	wrdreg $0xFFFFFFFF  }
0xa7: {  	s28 =	simm.s32 $_size_execute0_lowered;
	s2 =	sadd.s32 s2, s4;
	[dreg:$0x0] =	wrdreg $0x0  }
0xa8: {  	s4 =	sshll.u32 s28, $0x1;
	[dreg:$0x2] =	wrdreg s2  }
0xa9: {  	[dreg:$0x3] =	wrdreg s4  }
0xaa: {  	[dreg:$0x4] =	wrdreg $0xC0  }
0xab: {  	_ =	task [dreg:s6], $0x5FFFF  }
0xac: {  	[dreg:$0x1] =	wrdreg $0xFFFFFFFF  }
0xad: {  	[dreg:$0x0] =	wrdreg $0x60  }
0xae: {  	[dreg:$0x2] =	wrdreg s24  }
0xaf: {  	[dreg:$0x3] =	wrdreg $0x9  }
0xb0: {  	_ =	task.clear_ibuf [dreg:s6], $0x4FFFF;
	_ =	strace $0x90000046  }
0xb1: {  	s29 =	simm.s32 $0x9;
	_ =	strace $0x80000048  }
0xb2: {  	_ =	swait.ge [sflag:s29], $0x1  }
0xb3: {  	[sflag:s29] =	ssyncadd.s32 $0xFFFFFFFF  }
0xb4: {  	_ =	strace $0x90000048  }
0xb5: {  	_ =	sfence  }
0xb6: {  	s30 =	sld [smem:$0x0];
	_ =	sdelay $0x2  }
0xb7: {  	s31 =	sshll.u32 s1, $0xD;
	s1 =	sshrl.u32 s1, $0x2  }
0xb8: {  	s3 =	sand.u32 $0x4000, s31;
	s1 =	sadd.s32 s1, s30  }
0xb9: {  	s0 =	sor.u32 s3, s0;
	s1 =	sshll.u32 s1, $0x11  }
0xba: {  	s0 =	sor.u32 s1, s0  }
0xbb: {  	s0 =	sadd.s32 $0x8F2B, s0  }
0xbc: {  	[sflag:s0] =	ssyncadd.remote.s32 $0x1  }
0xbd: {  	_ =	sfence.sel $0xFFFF  }
0xbe: {  	[dreg:$0x0] =	wrdreg $0xFFFFFFFF;
	(pc) =	sbr.abs _section_cstart, $3  }
0xbf: {  	[dreg:$0x1] =	wrdreg $0xFFFFFFFF  }
0xc0: {  	_ =	task.clear_ibuf [dreg:s6], $0x2FFFF;
	_ =	strace $0x9FFFFFFF  }
0xc1: {  	(tm) =	ssettm $0x7FFFFFFF  }
tec
execute0_lowered:
.L_overlay_start_1:
0x0: {  	(tag) =	ssettag $0x1  }
0x1: {  	s3 =	rddreg [dreg:$0x0]  }
0x2: {  	s0 =	rddreg [dreg:$0x1];
	s4 =	srdreg.scid  }
0x3: {  	s1 =	stileid.u32;
	s2 =	simm.s32 $0x0;
	s8 =	simm.s32 $0x8400  }
0x4: {  	s9 =	simm.s32 $0x0;
	s4 =	sand.u32 $0x1, s4;
	s5 =	sshll.u32 s1, $0x1  }
0x5: {  	[smem:$0x7FF] =	sst s2;
	s5 =	sor.u32 s4, s5;
	s4 =	ssub.s32 $0x2, s4  }
0x6: {  	s6 =	sshll.u32 s5, $0xA;
	s5 =	smul.u32 $0x680, s5;
	s7 =	sshrl.u32 s4, $0x1  }
0x7: {  	_ =	strace $0x80000047;
	s6 =	sadd.s32 s6, s3;
	s7 =	ssub.s32 s4, s7  }
0x8: {  	v1 =	vlaneseq.u32;
	s5 =	sadd.s32 s5, s3;
	s3 =	sadd.s32 $0xE00, s6;
	s6 =	simm.s32 $0x1  }
0x9: {  	v0 =	vimm.f32 $0.0e+00;
	v2 =	vimm.f32 $1.000000000e+00;
	v1 =	vmul.u32 $0x640, v1;
	s4 =	sadd.s32 $0x8E00, s5;
	s5 =	smax.u32 s7, $0x1;
	s7 =	simm.s32 $0x2000  }
.LBB2_1:
0xa: {  	[tilespmem:s2], [sflag:$0x1] =	stream.linear.gather [hbm4b:s3+s2], $0x2000, $0x38;
	[tilespmem:$0xB800] =	vst v63  }
0xb: {  	_ =	swait.ge [sflag:s6], $0x2000  }
0xc: {  	[sflag:s6] =	ssyncset.done $0x0  }
0xd: {  	s11 =	simm.s32 $0x0;
	s10 =	simm.s32 $0x200;
	[sflag:s6] =	ssyncadd.s32 $0xFFFFE000  }
.LBB2_2:
0xe: {  	p0 =	sne.s32 s10, $0x18E00;
	[tilespmem:s11+$0x2070] =	vst v0  }
0xf: {  	[tilespmem:s11+$0x2000] =	vst v0  }
0x10: {  	[tilespmem:s11+$0x2010] =	vst v0  }
.Ltmp0:
0x11: {  	[tilespmem:s11+$0x2020] =	vst v0;
	(pc) =	sbr.rel @p0 .LBB2_2-.Ltmp0, $4  }
0x12: {  	[tilespmem:s11+$0x2030] =	vst v0  }
0x13: {  	[tilespmem:s11+$0x2040] =	vst v0  }
0x14: {  	[tilespmem:s11+$0x2050] =	vst v0  }
0x15: {  	[tilespmem:s11+$0x2060] =	vst v0;
	s11 =	sshra.s32 s10, $0x2;
	s10 =	sadd.s32 $0x200, s10  }
0x16: {  	[tilespmem:s11+$0x2070] =	vst v0  }
0x17: {  	[tilespmem:s11+$0x2000] =	vst v0  }
0x18: {  	[tilespmem:s11+$0x2010] =	vst v0  }
0x19: {  	[tilespmem:s11+$0x2020] =	vst v0  }
0x1a: {  	[tilespmem:s11+$0x2030] =	vst v0  }
0x1b: {  	[tilespmem:s11+$0x2040] =	vst v0  }
0x1c: {  	[tilespmem:s11+$0x2050] =	vst v0  }
0x1d: {  	s10 =	simm.s32 $0x0;
	[tilespmem:s11+$0x2060] =	vst v0;
	s11 =	simm.s32 $0x0  }
.LBB2_4:
0x1e: {  	s12 =	sshra.s32 s11, $0x2  }
0x1f: {  	v3 =	vld [tilespmem:s12+$0x0];
	_ =	sdelay $0x4  }
0x20: {  	v3 =	vadd.s32 v1, v3;
	_ =	sdelay $0x4  }
0x21: {  	[tilespmem:v3+s7+$0x0] =	vst.idx.add.f32.msk $0xffff, v2  }
0x22: {  	v3 =	vld [tilespmem:s12+$0x10];
	_ =	sdelay $0x4  }
0x23: {  	v3 =	vadd.s32 v1, v3;
	_ =	sdelay $0x4  }
0x24: {  	[tilespmem:v3+s7+$0x0] =	vst.idx.add.f32.msk $0xffff, v2  }
0x25: {  	v3 =	vld [tilespmem:s12+$0x20];
	_ =	sdelay $0x4  }
0x26: {  	v3 =	vadd.s32 v1, v3;
	_ =	sdelay $0x4  }
0x27: {  	[tilespmem:v3+s7+$0x0] =	vst.idx.add.f32.msk $0xffff, v2  }
0x28: {  	v3 =	vld [tilespmem:s12+$0x30];
	_ =	sdelay $0x4  }
0x29: {  	p0 =	sne.s32 s11, $0x7F00;
	v3 =	vadd.s32 v1, v3  }
.Ltmp1:
0x2a: {  	_ = 	snop;
	(pc) =	sbr.rel @p0 .LBB2_4-.Ltmp1, $2  }
0x2b: {  	_ =	sdelay $0x2  }
0x2c: {  	s11 =	sadd.s32 $0x100, s11;
	[tilespmem:v3+s7+$0x0] =	vst.idx.add.f32.msk $0xffff, v2  }
0x2d: {  	s11 =	simm.s32 $0x0  }
0x2e: {  	v3 =	vld [tilespmem:s11+$0x2640]  }
0x2f: {  	v4 =	vld [tilespmem:s11+$0x2000]  }
0x30: {  	s12 =	sand.u32 $0x7F0, s10  }
0x31: {  	v5 =	vld [tilespmem:s12+$0x2C80];
	_ =	sdelay $0x1  }
0x32: {  	v6 =	vld [tilespmem:s11+$0x32C0]  }
0x33: {  	v3 =	vadd.f32 v3, v4  }
0x34: {  	v4 =	vld [tilespmem:s12+$0x3900]  }
0x35: {  	v3 =	vadd.f32 v5, v3  }
0x36: {  	v5 =	vld [tilespmem:s11+$0x3F40]  }
0x37: {  	v3 =	vadd.f32 v6, v3  }
0x38: {  	v60 =	vld [tilespmem:s12+$0x4580]  }
0x39: {  	v3 =	vadd.f32 v4, v3  }
0x3a: {  	v4 =	vld [tilespmem:s11+$0x4BC0]  }
0x3b: {  	v3 =	vadd.f32 v5, v3  }
0x3c: {  	v5 =	vld [tilespmem:s12+$0x5200]  }
0x3d: {  	v3 =	vadd.f32 v60, v3  }
0x3e: {  	v61 =	vld [tilespmem:s11+$0x5840]  }
0x3f: {  	v3 =	vadd.f32 v4, v3  }
0x40: {  	v4 =	vld [tilespmem:s12+$0x5E80]  }
0x41: {  	v3 =	vadd.f32 v5, v3  }
0x42: {  	v5 =	vld [tilespmem:s11+$0x64C0]  }
0x43: {  	v3 =	vadd.f32 v61, v3  }
0x44: {  	v62 =	vld [tilespmem:s12+$0x6B00]  }
0x45: {  	v3 =	vadd.f32 v4, v3  }
0x46: {  	v4 =	vld [tilespmem:s11+$0x7140]  }
0x47: {  	v3 =	vadd.f32 v5, v3  }
0x48: {  	v5 =	vld [tilespmem:s12+$0x7780]  }
0x49: {  	v3 =	vadd.f32 v62, v3  }
0x4a: {  	v63 =	vld [tilespmem:s11+$0x7DC0]  }
0x4b: {  	v3 =	vadd.f32 v4, v3;
	_ =	sdelay $0x1  }
0x4c: {  	v3 =	vadd.f32 v5, v3;
	_ =	sdelay $0x1  }
0x4d: {  	v3 =	vadd.f32 v63, v3  }
0x4e: {  	s11 =	simm.s32 $0x8400  }
0x4f: {  	s12 =	simm.s32 $0x10;
	[tilespmem:s11+$0x0] =	vst v3  }
0x50: {  	s13 =	simm.s32 $0x80;
	v3 =	vld [tilespmem:s12+$0x2640]  }
.LBB2_6:
0x51: {  	p0 =	sne.s32 s13, $0x18C0;
	v4 =	vld [tilespmem:s12+$0x2000];
	s10 =	sadd.s32 $0x10, s10  }
0x52: {  	s14 =	sand.u32 $0x7F0, s10  }
0x53: {  	v5 =	vld [tilespmem:s14+$0x2C80];
	_ =	sdelay $0x1  }
0x54: {  	v6 =	vld [tilespmem:s12+$0x32C0]  }
0x55: {  	v3 =	vadd.f32 v3, v4  }
0x56: {  	v4 =	vld [tilespmem:s14+$0x3900]  }
0x57: {  	v3 =	vadd.f32 v5, v3  }
0x58: {  	v5 =	vld [tilespmem:s12+$0x3F40]  }
0x59: {  	v3 =	vadd.f32 v6, v3  }
0x5a: {  	v6 =	vld [tilespmem:s14+$0x4580]  }
0x5b: {  	v3 =	vadd.f32 v4, v3  }
0x5c: {  	v4 =	vld [tilespmem:s12+$0x4BC0]  }
0x5d: {  	v3 =	vadd.f32 v5, v3  }
0x5e: {  	v5 =	vld [tilespmem:s14+$0x5200]  }
0x5f: {  	v3 =	vadd.f32 v6, v3  }
0x60: {  	v6 =	vld [tilespmem:s12+$0x5840]  }
0x61: {  	v3 =	vadd.f32 v4, v3  }
0x62: {  	v4 =	vld [tilespmem:s14+$0x5E80]  }
0x63: {  	v3 =	vadd.f32 v5, v3  }
0x64: {  	v5 =	vld [tilespmem:s12+$0x64C0]  }
0x65: {  	v3 =	vadd.f32 v6, v3  }
0x66: {  	v6 =	vld [tilespmem:s14+$0x6B00]  }
0x67: {  	v3 =	vadd.f32 v4, v3  }
0x68: {  	v4 =	vld [tilespmem:s12+$0x7140]  }
0x69: {  	v3 =	vadd.f32 v5, v3  }
0x6a: {  	v5 =	vld [tilespmem:s14+$0x7780]  }
0x6b: {  	v3 =	vadd.f32 v6, v3  }
0x6c: {  	v6 =	vld [tilespmem:s12+$0x7DC0]  }
0x6d: {  	v3 =	vadd.f32 v4, v3;
	_ =	sdelay $0x1  }
0x6e: {  	v3 =	vadd.f32 v5, v3  }
.Ltmp2:
0x6f: {  	(pc) =	sbr.rel @p0 .LBB2_6-.Ltmp2, $4  }
0x70: {  	v3 =	vadd.f32 v6, v3  }
0x71: {  	s11 =	sadd.s32 $0x80, s11  }
0x72: {  	s12 =	sshra.s32 s13, $0x2;
	[tilespmem:s11+$0x0] =	vst v3  }
0x73: {  	s13 =	sadd.s32 $0x40, s13;
	v3 =	vld [tilespmem:s12+$0x2640]  }
0x74: {  	v4 =	vld [tilespmem:s12+$0x2000];
	s10 =	sadd.s32 $0x10, s10  }
0x75: {  	s10 =	sand.u32 $0x7F0, s10  }
0x76: {  	v5 =	vld [tilespmem:s10+$0x2C80];
	_ =	sdelay $0x1  }
0x77: {  	v6 =	vld [tilespmem:s12+$0x32C0]  }
0x78: {  	v3 =	vadd.f32 v3, v4  }
0x79: {  	v52 =	vld [tilespmem:s10+$0x3900]  }
0x7a: {  	v3 =	vadd.f32 v5, v3  }
0x7b: {  	v53 =	vld [tilespmem:s12+$0x3F40]  }
0x7c: {  	v3 =	vadd.f32 v6, v3  }
0x7d: {  	v54 =	vld [tilespmem:s10+$0x4580]  }
0x7e: {  	v3 =	vadd.f32 v52, v3  }
0x7f: {  	v55 =	vld [tilespmem:s12+$0x4BC0]  }
0x80: {  	v3 =	vadd.f32 v53, v3  }
0x81: {  	v56 =	vld [tilespmem:s10+$0x5200]  }
0x82: {  	v3 =	vadd.f32 v54, v3  }
0x83: {  	v57 =	vld [tilespmem:s12+$0x5840]  }
0x84: {  	v3 =	vadd.f32 v55, v3  }
0x85: {  	v58 =	vld [tilespmem:s10+$0x5E80]  }
0x86: {  	v3 =	vadd.f32 v56, v3  }
0x87: {  	v59 =	vld [tilespmem:s12+$0x64C0]  }
0x88: {  	v3 =	vadd.f32 v57, v3  }
0x89: {  	v60 =	vld [tilespmem:s10+$0x6B00]  }
0x8a: {  	v3 =	vadd.f32 v58, v3  }
0x8b: {  	v61 =	vld [tilespmem:s12+$0x7140]  }
0x8c: {  	v3 =	vadd.f32 v59, v3  }
0x8d: {  	v62 =	vld [tilespmem:s10+$0x7780]  }
0x8e: {  	v3 =	vadd.f32 v60, v3  }
0x8f: {  	v63 =	vld [tilespmem:s12+$0x7DC0]  }
0x90: {  	v3 =	vadd.f32 v61, v3;
	_ =	sdelay $0x1  }
0x91: {  	v3 =	vadd.f32 v62, v3;
	_ =	sdelay $0x1  }
0x92: {  	s9 =	sadd.s32 $0x1, s9;
	v3 =	vadd.f32 v63, v3  }
0x93: {  	s31 =	sadd.s32 $0x80, s11;
	p0 =	sne.s32 s9, s5  }
.Ltmp3:
0x94: {  	[tilespmem:s31+$0x0] =	vst v3;
	(pc) =	sbr.rel @p0 .LBB2_1-.Ltmp3, $4  }
0x95: {  	[hbm4b:s4+s2] =	stream.linear.scatter [tilespmem:s8], [sflag:$0x1], $0x3200, $0x38;
	[tilespmem:$0xB800] =	vst v63  }
0x96: {  	_ =	swait.ge [sflag:s6], $0x3200  }
0x97: {  	[sflag:s6] =	ssyncset.done $0x0  }
0x98: {  	[sflag:s6] =	ssyncadd.s32 $0xFFFFCE00  }
0x99: {  	_ =	sfence.sel $0x180000  }
0x9a: {  	[bflag:$0x0] =	sbarrier.arrive $0xFFFF  }
0x9b: {  	p0 =	sne.s32 s1, $0x0;
	_ =	strace $0x90000047  }
0x9c: {  	s0 =	sadd.s32 @!p0 $0x100000, s0;
	[bflag:$0x2] =	sbarrier.arrive $0xFFFF  }
0x9d: {  	[sflag:s0] =	ssyncadd.tile.s32 @!p0 $0x1;
	_ =	shalt  }
.Lfunc_end2:
_tile_overlayer_lowered:
.L_overlay_start_2:
0x9e: {  	(tag) =	ssettag $0x2  }
0x9f: {  	s0 =	rddreg [dreg:$0x0];
	s2 =	stileid.u32  }
0xa0: {  	s1 =	rddreg [dreg:$0x1];
	p0 =	sne.s32 s2, $0x0  }
0xa1: {  	s3 =	rddreg [dreg:$0x2];
	[bflag:$0x3] =	sbarrier.arrive $0xFFFF;
	s2 =	simm.s32 @!p0 $0x1C01  }
0xa2: {  	[timem:s3], [sflag:s2] =	dma.local @!p0 [hbm:s0], s1  }
0xa3: {  	s0 =	simm.s32 @!p0 $0x1  }
0xa4: {  	_ =	swait.ge @!p0 [sflag:s0], s1  }
0xa5: {  	s1 =	ssub.s32 @!p0 $0x0, s1;
	[sflag:s0] =	ssyncset.done @!p0 $0x0  }
0xa6: {  	[sflag:s0] =	ssyncadd.s32 @!p0 s1  }
0xa7: {  	[bflag:$0x3] =	sbarrier.arrive $0xFFFF  }
0xa8: {  	_ =	shalt  }

</sc_bundles>
